<compile_context>
chip_gen: v7x
topology: tpu7x:2x2x1
jax: 0.10.2.dev20260603
libtpu: 0.0.44.dev20260713+nightly
codegen_flags: <defaults>
</compile_context>

<pallas_src>
import functools

import jax
import jax.numpy as jnp
from jax import lax
from jax.experimental import pallas as pl
from jax.experimental.pallas import tpu as pltpu
from jax.experimental.pallas import tpu_sc as plsc

N, D, E, H_R, H_E = 4096, 1024, 16, 64, 128
TBLK = 1024
HF = E * H_E
KX = HF + E

NW = 32
TOK_W = N // NW
CHUNK = TOK_W * E


def _router_kernel(x_ref, rw1_ref, rb1_ref, rw2_ref, rb2_ref, w_ref):
    xb = x_ref[...]
    hr = jnp.maximum(
        jnp.dot(xb, rw1_ref[...], preferred_element_type=jnp.float32)
        + rb1_ref[...][None, :], 0.0)
    logits = (jnp.dot(hr, rw2_ref[...], preferred_element_type=jnp.float32)
              + rb2_ref[...][None, :])
    logits = logits - jnp.max(logits, axis=-1, keepdims=True)
    ew = jnp.exp(logits)
    w_ref[...] = ew / jnp.sum(ew, axis=-1, keepdims=True)


def _top2_sc_kernel(w_hbm, wtop_hbm, wv, ov):
    wid = lax.axis_index("s") * 2 + lax.axis_index("c")
    base = wid * CHUNK
    pltpu.sync_copy(w_hbm.at[pl.ds(base, CHUNK)], wv)

    idx = lax.iota(jnp.int32, E)
    perms = [jnp.bitwise_xor(idx, k) for k in (1, 2, 4, 8)]

    def gat(v, perm):
        return v.at[perm].get(mode="promise_in_bounds")

    def bfly_argmax(v):
        ix = idx
        for perm in perms:
            pv, pix = gat(v, perm), gat(ix, perm)
            take = (pv > v) | ((pv == v) & (pix < ix))
            v = jnp.where(take, pv, v)
            ix = jnp.where(take, pix, ix)
        return v, ix

    def bfly_sum(v):
        for perm in perms:
            v = v + gat(v, perm)
        return v

    def body(t, carry):
        wrow = wv[pl.ds(t * E, E)]
        _, i1 = bfly_argmax(wrow)
        w2 = jnp.where(idx == i1, -jnp.inf, wrow)
        _, i2 = bfly_argmax(w2)
        mask = (idx == i1) | (idx == i2)
        wt = jnp.where(mask, wrow, 0.0)
        ov[pl.ds(t * E, E)] = wt / (bfly_sum(wt) + 1e-8)
        return carry

    lax.fori_loop(0, TOK_W, body, 0)
    pltpu.sync_copy(ov, wtop_hbm.at[pl.ds(base, CHUNK)])


@functools.partial(
    pl.kernel,
    out_type=jax.ShapeDtypeStruct((N * E,), jnp.float32),
    mesh=plsc.VectorSubcoreMesh(core_axis_name="c", subcore_axis_name="s"),
    scratch_types=[
        pltpu.VMEM((CHUNK,), jnp.float32),
        pltpu.VMEM((CHUNK,), jnp.float32),
    ],
)
def _top2_sc(w_hbm, wtop_hbm, wv, ov):
    _top2_sc_kernel(w_hbm, wtop_hbm, wv, ov)


def _expert_kernel(x_ref, wtop_ref, ew1_ref, eb1_ref, ew2_ref,
                   y_ref, hs_ref):
    xb = x_ref[...].astype(jnp.bfloat16)
    pre = (jnp.dot(xb, ew1_ref[...], preferred_element_type=jnp.float32)
           + eb1_ref[...])
    h = jnp.tanh(pre)
    wt = wtop_ref[...]
    gates = jnp.broadcast_to(wt[:, :, None], (TBLK, E, H_E)).reshape(TBLK, HF)
    hs_ref[:, :HF] = (h * gates).astype(jnp.bfloat16)
    hs_ref[:, HF:] = wt.astype(jnp.bfloat16)
    y_ref[...] = jnp.dot(hs_ref[...], ew2_ref[...],
                         preferred_element_type=jnp.float32)


@jax.jit
def kernel(x, rw1, rb1, rw2, rb2, ew1, eb1, ew2, eb2):
    w = pl.pallas_call(
        _router_kernel,
        grid=(1,),
        in_specs=[
            pl.BlockSpec((N, D), lambda i: (0, 0)),
            pl.BlockSpec((D, H_R), lambda i: (0, 0)),
            pl.BlockSpec((H_R,), lambda i: (0,)),
            pl.BlockSpec((H_R, E), lambda i: (0, 0)),
            pl.BlockSpec((E,), lambda i: (0,)),
        ],
        out_specs=pl.BlockSpec((N, E), lambda i: (0, 0)),
        out_shape=jax.ShapeDtypeStruct((N, E), jnp.float32),
    )(x, rw1, rb1, rw2, rb2)

    wtop = _top2_sc(w.reshape(N * E)).reshape(N, E)

    ew1f = ew1.transpose(1, 0, 2).reshape(D, HF).astype(jnp.bfloat16)
    eb1f = eb1.reshape(1, HF)
    ew2f = jnp.concatenate(
        [ew2.reshape(HF, D), eb2], axis=0).astype(jnp.bfloat16)

    y = pl.pallas_call(
        _expert_kernel,
        grid=(N // TBLK,),
        in_specs=[
            pl.BlockSpec((TBLK, D), lambda i: (i, 0)),
            pl.BlockSpec((TBLK, E), lambda i: (i, 0)),
            pl.BlockSpec((D, HF), lambda i: (0, 0)),
            pl.BlockSpec((1, HF), lambda i: (0, 0)),
            pl.BlockSpec((KX, D), lambda i: (0, 0)),
        ],
        out_specs=pl.BlockSpec((TBLK, D), lambda i: (i, 0)),
        out_shape=jax.ShapeDtypeStruct((N, D), jnp.float32),
        scratch_shapes=[pltpu.VMEM((TBLK, KX), jnp.bfloat16)],
        compiler_params=pltpu.CompilerParams(
            dimension_semantics=("parallel",)),
    )(x, wtop, ew1f, eb1f, ew2f)
    return (y, w)

# --- scband reference (transcript-rebuilt; emitter-appended) ---
"""Pipeline reference for scband-mo-eregressor-25202868093195 (READ-ONLY COPY).

The authoritative reference and input builder live on the scoring server;
editing this copy changes nothing except your own understanding.
"""

import jax, jax.numpy as jnp
import numpy as np

N, D, E, H_E, H_R = 4096, 1024, 16, 128, 64

def setup_inputs(seed: int = 0) -> dict:
    key = jax.random.key(seed)
    ks = jax.random.split(key, 6)
    s = 0.02
    x = jax.random.normal(ks[0], (N, D), dtype=jnp.float32)
    rw1 = jax.random.normal(ks[1], (D, H_R), dtype=jnp.float32) * s
    rb1 = jnp.zeros((H_R,), dtype=jnp.float32)
    rw2 = jax.random.normal(ks[2], (H_R, E), dtype=jnp.float32) * s
    rb2 = jnp.zeros((E,), dtype=jnp.float32)
    ew1 = jax.random.normal(ks[3], (E, D, H_E), dtype=jnp.float32) * s
    eb1 = jnp.zeros((E, H_E), dtype=jnp.float32)
    ew2 = jax.random.normal(ks[4], (E, H_E, D), dtype=jnp.float32) * s
    eb2 = jnp.zeros((E, D), dtype=jnp.float32)
    return {"x": x, "rw1": rw1, "rb1": rb1, "rw2": rw2, "rb2": rb2,
            "ew1": ew1, "eb1": eb1, "ew2": ew2, "eb2": eb2}

def reference(x, rw1, rb1, rw2, rb2, ew1, eb1, ew2, eb2):
    # Router: Linear -> ReLU -> Linear -> softmax(logits / temp), temp=1.0
    logits = jax.nn.relu(x @ rw1 + rb1) @ rw2 + rb2
    w = jax.nn.softmax(logits / 1.0, axis=-1)  # [N, E]
    # Experts (dense: every expert processes every token): Linear -> Tanh -> Linear
    h = jnp.tanh(jnp.einsum('nd,edh->enh', x, ew1) + eb1[:, None, :])  # [E, N, H_E]
    outs = jnp.einsum('enh,ehd->end', h, ew2) + eb2[:, None, :]        # [E, N, D]
    outs = jnp.transpose(outs, (1, 0, 2))                               # [N, E, D]
    # top-2 mask + renormalize
    top_val, top_idx = jax.lax.top_k(w, 2)
    n = w.shape[0]
    mask = jnp.zeros_like(w).at[jnp.arange(n)[:, None], top_idx].set(1.0)
    w_top = w * mask
    w_top = w_top / (w_top.sum(axis=-1, keepdims=True) + 1e-08)
    y_pred = (w_top[..., None] * outs).sum(axis=-2)                     # [N, D]
    return (y_pred, w)

if __name__ == "__main__":
    import jax
    _d = setup_inputs()
    print(jax.jit(kernel)(*tuple(_d.values())))

</pallas_src>

<mosaic_0001>
#map = affine_map<(d0, d1) -> (0)>
module attributes {stable_mosaic.version = 14 : i64} {
  func.func @_top2_sc(%arg0: i32, %arg1: i32, %arg2: memref<65536xf32, #tpu.memory_space<hbm>>, %arg3: memref<65536xf32, #tpu.memory_space<hbm>>, %arg4: memref<2048xf32, #tpu.memory_space<vmem>>, %arg5: memref<2048xf32, #tpu.memory_space<vmem>>) attributes {dimension_semantics = [#tpu.dimension_semantics<core_parallel>, #tpu.dimension_semantics<subcore_parallel>], iteration_bounds = array<i64: 2, 16>, scalar_prefetch = 0 : i64, scratch_operands = 2 : i64, tpu.core_type = #tpu.core_type<sc_vector_subcore>, window_params = [{transform_indices = #map}, {transform_indices = #map}]} {
    %mul3A = arith.constant 2 : i32
    %mul3A_0 = arith.muli %arg1, %mul3A : i32
    %add3A = arith.addi %mul3A_0, %arg0 : i32
    %mul3A_1 = arith.constant 2048 : i32
    %mul3A_2 = arith.muli %add3A, %mul3A_1 : i32
    "tpu.region"() ({
      %run_scoped3A = tpu.sem_alloc : memref<!tpu.dma_semaphore, #tpu.memory_space<semaphore_mem>>
      %dma_start3A = tpu.memref_slice %arg2[%mul3A_2] : memref<65536xf32, #tpu.memory_space<hbm>> -> memref<2048xf32, #tpu.memory_space<hbm>>
      %dma_start3A_19 = tpu.memref_slice %arg2[%mul3A_2] : memref<65536xf32, #tpu.memory_space<hbm>> -> memref<2048xf32, #tpu.memory_space<hbm>>
      tpu.enqueue_dma source(%dma_start3A_19 : memref<2048xf32, #tpu.memory_space<hbm>>) target(%arg4 : memref<2048xf32, #tpu.memory_space<vmem>>) target_semaphore(%run_scoped3A : memref<!tpu.dma_semaphore, #tpu.memory_space<semaphore_mem>>)
      %dma_wait3A = tpu.memref_slice %arg2[%mul3A_2] : memref<65536xf32, #tpu.memory_space<hbm>> -> memref<2048xf32, #tpu.memory_space<hbm>>
      %dma_wait3A_20 = tpu.memref_slice %arg2[%mul3A_2] : memref<65536xf32, #tpu.memory_space<hbm>> -> memref<2048xf32, #tpu.memory_space<hbm>>
      tpu.wait_dma2 semaphore(%run_scoped3A : memref<!tpu.dma_semaphore, #tpu.memory_space<semaphore_mem>>) src(%dma_wait3A_20 : memref<2048xf32, #tpu.memory_space<hbm>>) dst(%arg4 : memref<2048xf32, #tpu.memory_space<vmem>>)
      tpu.yield
    }) : () -> ()
    %iota3A = tpu.iota {dimensions = array<i32: 0>} : vector<16xi32>
    %xor3A = arith.constant 1 : i32
    %xor3A_3 = vector.broadcast %xor3A : i32 to vector<16xi32>
    %xor3A_4 = arith.xori %iota3A, %xor3A_3 : vector<16xi32>
    %xor3A_5 = arith.constant 2 : i32
    %xor3A_6 = vector.broadcast %xor3A_5 : i32 to vector<16xi32>
    %xor3A_7 = arith.xori %iota3A, %xor3A_6 : vector<16xi32>
    %xor3A_8 = arith.constant 4 : i32
    %xor3A_9 = vector.broadcast %xor3A_8 : i32 to vector<16xi32>
    %xor3A_10 = arith.xori %iota3A, %xor3A_9 : vector<16xi32>
    %xor3A_11 = arith.constant 8 : i32
    %xor3A_12 = vector.broadcast %xor3A_11 : i32 to vector<16xi32>
    %xor3A_13 = arith.xori %iota3A, %xor3A_12 : vector<16xi32>
    %scan3A = arith.constant 0 : i32
    %scan3A_14 = arith.constant 0 : i32
    %scan3A_15 = arith.constant 128 : i32
    %scan3A_16 = arith.addi %scan3A_14, %scan3A_15 : i32
    %scan3A_17 = arith.constant 1 : i32
    scf.for %scan3A_19 = %scan3A_14 to %scan3A_16 step %scan3A_17  : i32 {
      %mul3A_20 = arith.constant 16 : i32
      %mul3A_21 = arith.muli %scan3A_19, %mul3A_20 : i32
      %get3A = arith.index_cast %mul3A_21 : i32 to index
      %get3A_22 = tpu.vector_load %arg4[%get3A] {strides = array<i32>} : memref<2048xf32, #tpu.memory_space<vmem>>, vector<16xf32>,
      %get3A_23 = vector.shape_cast %get3A_22 : vector<16xf32> to vector<16xf32>
      %lt3A = arith.constant 0 : i32
      %lt3A_24 = vector.broadcast %lt3A : i32 to vector<16xi32>
      %lt3A_25 = arith.cmpi slt, %xor3A_4, %lt3A_24 : vector<16xi32>
      %add3A_26 = arith.constant 16 : i32
      %add3A_27 = vector.broadcast %add3A_26 : i32 to vector<16xi32>
      %add3A_28 = arith.addi %xor3A_4, %add3A_27 : vector<16xi32>
      %select_n3A = arith.select %lt3A_25, %add3A_28, %xor3A_4 : vector<16xi1>, vector<16xi32>
      %broadcast_in_dim3A = vector.shape_cast %select_n3A : vector<16xi32> to vector<16x1xi32>
      %gather3A = vector.shape_cast %broadcast_in_dim3A : vector<16x1xi32> to vector<16xi32>
      %gather3A_29 = tpu.dynamic_gather %get3A_23[%gather3A] in [0] : vector<16xf32>, vector<16xi32> -> vector<16xf32>
      %lt3A_30 = arith.constant 0 : i32
      %lt3A_31 = vector.broadcast %lt3A_30 : i32 to vector<16xi32>
      %lt3A_32 = arith.cmpi slt, %xor3A_4, %lt3A_31 : vector<16xi32>
      %add3A_33 = arith.constant 16 : i32
      %add3A_34 = vector.broadcast %add3A_33 : i32 to vector<16xi32>
      %add3A_35 = arith.addi %xor3A_4, %add3A_34 : vector<16xi32>
      %select_n3A_36 = arith.select %lt3A_32, %add3A_35, %xor3A_4 : vector<16xi1>, vector<16xi32>
      %broadcast_in_dim3A_37 = vector.shape_cast %select_n3A_36 : vector<16xi32> to vector<16x1xi32>
      %gather3A_38 = vector.shape_cast %broadcast_in_dim3A_37 : vector<16x1xi32> to vector<16xi32>
      %gather3A_39 = tpu.dynamic_gather %iota3A[%gather3A_38] in [0] : vector<16xi32>, vector<16xi32> -> vector<16xi32>
      %gt3A = arith.cmpf ogt, %gather3A_29, %get3A_23 : vector<16xf32>
      %eq3A = arith.cmpf oeq, %gather3A_29, %get3A_23 : vector<16xf32>
      %lt3A_40 = arith.cmpi slt, %gather3A_39, %iota3A : vector<16xi32>
      %and3A = arith.andi %eq3A, %lt3A_40 : vector<16xi1>
      %or3A = arith.ori %gt3A, %and3A : vector<16xi1>
      %select_n3A_41 = arith.select %or3A, %gather3A_29, %get3A_23 : vector<16xi1>, vector<16xf32>
      %select_n3A_42 = arith.select %or3A, %gather3A_39, %iota3A : vector<16xi1>, vector<16xi32>
      %lt3A_43 = arith.constant 0 : i32
      %lt3A_44 = vector.broadcast %lt3A_43 : i32 to vector<16xi32>
      %lt3A_45 = arith.cmpi slt, %xor3A_7, %lt3A_44 : vector<16xi32>
      %add3A_46 = arith.constant 16 : i32
      %add3A_47 = vector.broadcast %add3A_46 : i32 to vector<16xi32>
      %add3A_48 = arith.addi %xor3A_7, %add3A_47 : vector<16xi32>
      %select_n3A_49 = arith.select %lt3A_45, %add3A_48, %xor3A_7 : vector<16xi1>, vector<16xi32>
      %broadcast_in_dim3A_50 = vector.shape_cast %select_n3A_49 : vector<16xi32> to vector<16x1xi32>
      %gather3A_51 = vector.shape_cast %broadcast_in_dim3A_50 : vector<16x1xi32> to vector<16xi32>
      %gather3A_52 = tpu.dynamic_gather %select_n3A_41[%gather3A_51] in [0] : vector<16xf32>, vector<16xi32> -> vector<16xf32>
      %lt3A_53 = arith.constant 0 : i32
      %lt3A_54 = vector.broadcast %lt3A_53 : i32 to vector<16xi32>
      %lt3A_55 = arith.cmpi slt, %xor3A_7, %lt3A_54 : vector<16xi32>
      %add3A_56 = arith.constant 16 : i32
      %add3A_57 = vector.broadcast %add3A_56 : i32 to vector<16xi32>
      %add3A_58 = arith.addi %xor3A_7, %add3A_57 : vector<16xi32>
      %select_n3A_59 = arith.select %lt3A_55, %add3A_58, %xor3A_7 : vector<16xi1>, vector<16xi32>
      %broadcast_in_dim3A_60 = vector.shape_cast %select_n3A_59 : vector<16xi32> to vector<16x1xi32>
      %gather3A_61 = vector.shape_cast %broadcast_in_dim3A_60 : vector<16x1xi32> to vector<16xi32>
      %gather3A_62 = tpu.dynamic_gather %select_n3A_42[%gather3A_61] in [0] : vector<16xi32>, vector<16xi32> -> vector<16xi32>
      %gt3A_63 = arith.cmpf ogt, %gather3A_52, %select_n3A_41 : vector<16xf32>
      %eq3A_64 = arith.cmpf oeq, %gather3A_52, %select_n3A_41 : vector<16xf32>
      %lt3A_65 = arith.cmpi slt, %gather3A_62, %select_n3A_42 : vector<16xi32>
      %and3A_66 = arith.andi %eq3A_64, %lt3A_65 : vector<16xi1>
      %or3A_67 = arith.ori %gt3A_63, %and3A_66 : vector<16xi1>
      %select_n3A_68 = arith.select %or3A_67, %gather3A_52, %select_n3A_41 : vector<16xi1>, vector<16xf32>
      %select_n3A_69 = arith.select %or3A_67, %gather3A_62, %select_n3A_42 : vector<16xi1>, vector<16xi32>
      %lt3A_70 = arith.constant 0 : i32
      %lt3A_71 = vector.broadcast %lt3A_70 : i32 to vector<16xi32>
      %lt3A_72 = arith.cmpi slt, %xor3A_10, %lt3A_71 : vector<16xi32>
      %add3A_73 = arith.constant 16 : i32
      %add3A_74 = vector.broadcast %add3A_73 : i32 to vector<16xi32>
      %add3A_75 = arith.addi %xor3A_10, %add3A_74 : vector<16xi32>
      %select_n3A_76 = arith.select %lt3A_72, %add3A_75, %xor3A_10 : vector<16xi1>, vector<16xi32>
      %broadcast_in_dim3A_77 = vector.shape_cast %select_n3A_76 : vector<16xi32> to vector<16x1xi32>
      %gather3A_78 = vector.shape_cast %broadcast_in_dim3A_77 : vector<16x1xi32> to vector<16xi32>
      %gather3A_79 = tpu.dynamic_gather %select_n3A_68[%gather3A_78] in [0] : vector<16xf32>, vector<16xi32> -> vector<16xf32>
      %lt3A_80 = arith.constant 0 : i32
      %lt3A_81 = vector.broadcast %lt3A_80 : i32 to vector<16xi32>
      %lt3A_82 = arith.cmpi slt, %xor3A_10, %lt3A_81 : vector<16xi32>
      %add3A_83 = arith.constant 16 : i32
      %add3A_84 = vector.broadcast %add3A_83 : i32 to vector<16xi32>
      %add3A_85 = arith.addi %xor3A_10, %add3A_84 : vector<16xi32>
      %select_n3A_86 = arith.select %lt3A_82, %add3A_85, %xor3A_10 : vector<16xi1>, vector<16xi32>
      %broadcast_in_dim3A_87 = vector.shape_cast %select_n3A_86 : vector<16xi32> to vector<16x1xi32>
      %gather3A_88 = vector.shape_cast %broadcast_in_dim3A_87 : vector<16x1xi32> to vector<16xi32>
      %gather3A_89 = tpu.dynamic_gather %select_n3A_69[%gather3A_88] in [0] : vector<16xi32>, vector<16xi32> -> vector<16xi32>
      %gt3A_90 = arith.cmpf ogt, %gather3A_79, %select_n3A_68 : vector<16xf32>
      %eq3A_91 = arith.cmpf oeq, %gather3A_79, %select_n3A_68 : vector<16xf32>
      %lt3A_92 = arith.cmpi slt, %gather3A_89, %select_n3A_69 : vector<16xi32>
      %and3A_93 = arith.andi %eq3A_91, %lt3A_92 : vector<16xi1>
      %or3A_94 = arith.ori %gt3A_90, %and3A_93 : vector<16xi1>
      %select_n3A_95 = arith.select %or3A_94, %gather3A_79, %select_n3A_68 : vector<16xi1>, vector<16xf32>
      %select_n3A_96 = arith.select %or3A_94, %gather3A_89, %select_n3A_69 : vector<16xi1>, vector<16xi32>
      %lt3A_97 = arith.constant 0 : i32
      %lt3A_98 = vector.broadcast %lt3A_97 : i32 to vector<16xi32>
      %lt3A_99 = arith.cmpi slt, %xor3A_13, %lt3A_98 : vector<16xi32>
      %add3A_100 = arith.constant 16 : i32
      %add3A_101 = vector.broadcast %add3A_100 : i32 to vector<16xi32>
      %add3A_102 = arith.addi %xor3A_13, %add3A_101 : vector<16xi32>
      %select_n3A_103 = arith.select %lt3A_99, %add3A_102, %xor3A_13 : vector<16xi1>, vector<16xi32>
      %broadcast_in_dim3A_104 = vector.shape_cast %select_n3A_103 : vector<16xi32> to vector<16x1xi32>
      %gather3A_105 = vector.shape_cast %broadcast_in_dim3A_104 : vector<16x1xi32> to vector<16xi32>
      %gather3A_106 = tpu.dynamic_gather %select_n3A_95[%gather3A_105] in [0] : vector<16xf32>, vector<16xi32> -> vector<16xf32>
      %lt3A_107 = arith.constant 0 : i32
      %lt3A_108 = vector.broadcast %lt3A_107 : i32 to vector<16xi32>
      %lt3A_109 = arith.cmpi slt, %xor3A_13, %lt3A_108 : vector<16xi32>
      %add3A_110 = arith.constant 16 : i32
      %add3A_111 = vector.broadcast %add3A_110 : i32 to vector<16xi32>
      %add3A_112 = arith.addi %xor3A_13, %add3A_111 : vector<16xi32>
      %select_n3A_113 = arith.select %lt3A_109, %add3A_112, %xor3A_13 : vector<16xi1>, vector<16xi32>
      %broadcast_in_dim3A_114 = vector.shape_cast %select_n3A_113 : vector<16xi32> to vector<16x1xi32>
      %gather3A_115 = vector.shape_cast %broadcast_in_dim3A_114 : vector<16x1xi32> to vector<16xi32>
      %gather3A_116 = tpu.dynamic_gather %select_n3A_96[%gather3A_115] in [0] : vector<16xi32>, vector<16xi32> -> vector<16xi32>
      %gt3A_117 = arith.cmpf ogt, %gather3A_106, %select_n3A_95 : vector<16xf32>
      %eq3A_118 = arith.cmpf oeq, %gather3A_106, %select_n3A_95 : vector<16xf32>
      %lt3A_119 = arith.cmpi slt, %gather3A_116, %select_n3A_96 : vector<16xi32>
      %and3A_120 = arith.andi %eq3A_118, %lt3A_119 : vector<16xi1>
      %or3A_121 = arith.ori %gt3A_117, %and3A_120 : vector<16xi1>
      %select_n3A_122 = arith.select %or3A_121, %gather3A_106, %select_n3A_95 : vector<16xi1>, vector<16xf32>
      %select_n3A_123 = arith.select %or3A_121, %gather3A_116, %select_n3A_96 : vector<16xi1>, vector<16xi32>
      %eq3A_124 = arith.cmpi eq, %iota3A, %select_n3A_123 : vector<16xi32>
      %jit3A = arith.constant 0xFF800000 : f32
      %broadcast_in_dim3A_125 = vector.broadcast %jit3A : f32 to vector<16xf32>
      %select_n3A_126 = arith.select %eq3A_124, %broadcast_in_dim3A_125, %get3A_23 : vector<16xi1>, vector<16xf32>
      %lt3A_127 = arith.constant 0 : i32
      %lt3A_128 = vector.broadcast %lt3A_127 : i32 to vector<16xi32>
      %lt3A_129 = arith.cmpi slt, %xor3A_4, %lt3A_128 : vector<16xi32>
      %add3A_130 = arith.constant 16 : i32
      %add3A_131 = vector.broadcast %add3A_130 : i32 to vector<16xi32>
      %add3A_132 = arith.addi %xor3A_4, %add3A_131 : vector<16xi32>
      %select_n3A_133 = arith.select %lt3A_129, %add3A_132, %xor3A_4 : vector<16xi1>, vector<16xi32>
      %broadcast_in_dim3A_134 = vector.shape_cast %select_n3A_133 : vector<16xi32> to vector<16x1xi32>
      %gather3A_135 = vector.shape_cast %broadcast_in_dim3A_134 : vector<16x1xi32> to vector<16xi32>
      %gather3A_136 = tpu.dynamic_gather %select_n3A_126[%gather3A_135] in [0] : vector<16xf32>, vector<16xi32> -> vector<16xf32>
      %lt3A_137 = arith.constant 0 : i32
      %lt3A_138 = vector.broadcast %lt3A_137 : i32 to vector<16xi32>
      %lt3A_139 = arith.cmpi slt, %xor3A_4, %lt3A_138 : vector<16xi32>
      %add3A_140 = arith.constant 16 : i32
      %add3A_141 = vector.broadcast %add3A_140 : i32 to vector<16xi32>
      %add3A_142 = arith.addi %xor3A_4, %add3A_141 : vector<16xi32>
      %select_n3A_143 = arith.select %lt3A_139, %add3A_142, %xor3A_4 : vector<16xi1>, vector<16xi32>
      %broadcast_in_dim3A_144 = vector.shape_cast %select_n3A_143 : vector<16xi32> to vector<16x1xi32>
      %gather3A_145 = vector.shape_cast %broadcast_in_dim3A_144 : vector<16x1xi32> to vector<16xi32>
      %gather3A_146 = tpu.dynamic_gather %iota3A[%gather3A_145] in [0] : vector<16xi32>, vector<16xi32> -> vector<16xi32>
      %gt3A_147 = arith.cmpf ogt, %gather3A_136, %select_n3A_126 : vector<16xf32>
      %eq3A_148 = arith.cmpf oeq, %gather3A_136, %select_n3A_126 : vector<16xf32>
      %lt3A_149 = arith.cmpi slt, %gather3A_146, %iota3A : vector<16xi32>
      %and3A_150 = arith.andi %eq3A_148, %lt3A_149 : vector<16xi1>
      %or3A_151 = arith.ori %gt3A_147, %and3A_150 : vector<16xi1>
      %select_n3A_152 = arith.select %or3A_151, %gather3A_136, %select_n3A_126 : vector<16xi1>, vector<16xf32>
      %select_n3A_153 = arith.select %or3A_151, %gather3A_146, %iota3A : vector<16xi1>, vector<16xi32>
      %lt3A_154 = arith.constant 0 : i32
      %lt3A_155 = vector.broadcast %lt3A_154 : i32 to vector<16xi32>
      %lt3A_156 = arith.cmpi slt, %xor3A_7, %lt3A_155 : vector<16xi32>
      %add3A_157 = arith.constant 16 : i32
      %add3A_158 = vector.broadcast %add3A_157 : i32 to vector<16xi32>
      %add3A_159 = arith.addi %xor3A_7, %add3A_158 : vector<16xi32>
      %select_n3A_160 = arith.select %lt3A_156, %add3A_159, %xor3A_7 : vector<16xi1>, vector<16xi32>
      %broadcast_in_dim3A_161 = vector.shape_cast %select_n3A_160 : vector<16xi32> to vector<16x1xi32>
      %gather3A_162 = vector.shape_cast %broadcast_in_dim3A_161 : vector<16x1xi32> to vector<16xi32>
      %gather3A_163 = tpu.dynamic_gather %select_n3A_152[%gather3A_162] in [0] : vector<16xf32>, vector<16xi32> -> vector<16xf32>
      %lt3A_164 = arith.constant 0 : i32
      %lt3A_165 = vector.broadcast %lt3A_164 : i32 to vector<16xi32>
      %lt3A_166 = arith.cmpi slt, %xor3A_7, %lt3A_165 : vector<16xi32>
      %add3A_167 = arith.constant 16 : i32
      %add3A_168 = vector.broadcast %add3A_167 : i32 to vector<16xi32>
      %add3A_169 = arith.addi %xor3A_7, %add3A_168 : vector<16xi32>
      %select_n3A_170 = arith.select %lt3A_166, %add3A_169, %xor3A_7 : vector<16xi1>, vector<16xi32>
      %broadcast_in_dim3A_171 = vector.shape_cast %select_n3A_170 : vector<16xi32> to vector<16x1xi32>
      %gather3A_172 = vector.shape_cast %broadcast_in_dim3A_171 : vector<16x1xi32> to vector<16xi32>
      %gather3A_173 = tpu.dynamic_gather %select_n3A_153[%gather3A_172] in [0] : vector<16xi32>, vector<16xi32> -> vector<16xi32>
      %gt3A_174 = arith.cmpf ogt, %gather3A_163, %select_n3A_152 : vector<16xf32>
      %eq3A_175 = arith.cmpf oeq, %gather3A_163, %select_n3A_152 : vector<16xf32>
      %lt3A_176 = arith.cmpi slt, %gather3A_173, %select_n3A_153 : vector<16xi32>
      %and3A_177 = arith.andi %eq3A_175, %lt3A_176 : vector<16xi1>
      %or3A_178 = arith.ori %gt3A_174, %and3A_177 : vector<16xi1>
      %select_n3A_179 = arith.select %or3A_178, %gather3A_163, %select_n3A_152 : vector<16xi1>, vector<16xf32>
      %select_n3A_180 = arith.select %or3A_178, %gather3A_173, %select_n3A_153 : vector<16xi1>, vector<16xi32>
      %lt3A_181 = arith.constant 0 : i32
      %lt3A_182 = vector.broadcast %lt3A_181 : i32 to vector<16xi32>
      %lt3A_183 = arith.cmpi slt, %xor3A_10, %lt3A_182 : vector<16xi32>
      %add3A_184 = arith.constant 16 : i32
      %add3A_185 = vector.broadcast %add3A_184 : i32 to vector<16xi32>
      %add3A_186 = arith.addi %xor3A_10, %add3A_185 : vector<16xi32>
      %select_n3A_187 = arith.select %lt3A_183, %add3A_186, %xor3A_10 : vector<16xi1>, vector<16xi32>
      %broadcast_in_dim3A_188 = vector.shape_cast %select_n3A_187 : vector<16xi32> to vector<16x1xi32>
      %gather3A_189 = vector.shape_cast %broadcast_in_dim3A_188 : vector<16x1xi32> to vector<16xi32>
      %gather3A_190 = tpu.dynamic_gather %select_n3A_179[%gather3A_189] in [0] : vector<16xf32>, vector<16xi32> -> vector<16xf32>
      %lt3A_191 = arith.constant 0 : i32
      %lt3A_192 = vector.broadcast %lt3A_191 : i32 to vector<16xi32>
      %lt3A_193 = arith.cmpi slt, %xor3A_10, %lt3A_192 : vector<16xi32>
      %add3A_194 = arith.constant 16 : i32
      %add3A_195 = vector.broadcast %add3A_194 : i32 to vector<16xi32>
      %add3A_196 = arith.addi %xor3A_10, %add3A_195 : vector<16xi32>
      %select_n3A_197 = arith.select %lt3A_193, %add3A_196, %xor3A_10 : vector<16xi1>, vector<16xi32>
      %broadcast_in_dim3A_198 = vector.shape_cast %select_n3A_197 : vector<16xi32> to vector<16x1xi32>
      %gather3A_199 = vector.shape_cast %broadcast_in_dim3A_198 : vector<16x1xi32> to vector<16xi32>
      %gather3A_200 = tpu.dynamic_gather %select_n3A_180[%gather3A_199] in [0] : vector<16xi32>, vector<16xi32> -> vector<16xi32>
      %gt3A_201 = arith.cmpf ogt, %gather3A_190, %select_n3A_179 : vector<16xf32>
      %eq3A_202 = arith.cmpf oeq, %gather3A_190, %select_n3A_179 : vector<16xf32>
      %lt3A_203 = arith.cmpi slt, %gather3A_200, %select_n3A_180 : vector<16xi32>
      %and3A_204 = arith.andi %eq3A_202, %lt3A_203 : vector<16xi1>
      %or3A_205 = arith.ori %gt3A_201, %and3A_204 : vector<16xi1>
      %select_n3A_206 = arith.select %or3A_205, %gather3A_190, %select_n3A_179 : vector<16xi1>, vector<16xf32>
      %select_n3A_207 = arith.select %or3A_205, %gather3A_200, %select_n3A_180 : vector<16xi1>, vector<16xi32>
      %lt3A_208 = arith.constant 0 : i32
      %lt3A_209 = vector.broadcast %lt3A_208 : i32 to vector<16xi32>
      %lt3A_210 = arith.cmpi slt, %xor3A_13, %lt3A_209 : vector<16xi32>
      %add3A_211 = arith.constant 16 : i32
      %add3A_212 = vector.broadcast %add3A_211 : i32 to vector<16xi32>
      %add3A_213 = arith.addi %xor3A_13, %add3A_212 : vector<16xi32>
      %select_n3A_214 = arith.select %lt3A_210, %add3A_213, %xor3A_13 : vector<16xi1>, vector<16xi32>
      %broadcast_in_dim3A_215 = vector.shape_cast %select_n3A_214 : vector<16xi32> to vector<16x1xi32>
      %gather3A_216 = vector.shape_cast %broadcast_in_dim3A_215 : vector<16x1xi32> to vector<16xi32>
      %gather3A_217 = tpu.dynamic_gather %select_n3A_206[%gather3A_216] in [0] : vector<16xf32>, vector<16xi32> -> vector<16xf32>
      %lt3A_218 = arith.constant 0 : i32
      %lt3A_219 = vector.broadcast %lt3A_218 : i32 to vector<16xi32>
      %lt3A_220 = arith.cmpi slt, %xor3A_13, %lt3A_219 : vector<16xi32>
      %add3A_221 = arith.constant 16 : i32
      %add3A_222 = vector.broadcast %add3A_221 : i32 to vector<16xi32>
      %add3A_223 = arith.addi %xor3A_13, %add3A_222 : vector<16xi32>
      %select_n3A_224 = arith.select %lt3A_220, %add3A_223, %xor3A_13 : vector<16xi1>, vector<16xi32>
      %broadcast_in_dim3A_225 = vector.shape_cast %select_n3A_224 : vector<16xi32> to vector<16x1xi32>
      %gather3A_226 = vector.shape_cast %broadcast_in_dim3A_225 : vector<16x1xi32> to vector<16xi32>
      %gather3A_227 = tpu.dynamic_gather %select_n3A_207[%gather3A_226] in [0] : vector<16xi32>, vector<16xi32> -> vector<16xi32>
      %gt3A_228 = arith.cmpf ogt, %gather3A_217, %select_n3A_206 : vector<16xf32>
      %eq3A_229 = arith.cmpf oeq, %gather3A_217, %select_n3A_206 : vector<16xf32>
      %lt3A_230 = arith.cmpi slt, %gather3A_227, %select_n3A_207 : vector<16xi32>
      %and3A_231 = arith.andi %eq3A_229, %lt3A_230 : vector<16xi1>
      %or3A_232 = arith.ori %gt3A_228, %and3A_231 : vector<16xi1>
      %select_n3A_233 = arith.select %or3A_232, %gather3A_217, %select_n3A_206 : vector<16xi1>, vector<16xf32>
      %select_n3A_234 = arith.select %or3A_232, %gather3A_227, %select_n3A_207 : vector<16xi1>, vector<16xi32>
      %eq3A_235 = arith.cmpi eq, %iota3A, %select_n3A_123 : vector<16xi32>
      %eq3A_236 = arith.cmpi eq, %iota3A, %select_n3A_234 : vector<16xi32>
      %or3A_237 = arith.ori %eq3A_235, %eq3A_236 : vector<16xi1>
      %jit3A_238 = arith.constant 0.000000e+00 : f32
      %broadcast_in_dim3A_239 = vector.broadcast %jit3A_238 : f32 to vector<16xf32>
      %select_n3A_240 = arith.select %or3A_237, %get3A_23, %broadcast_in_dim3A_239 : vector<16xi1>, vector<16xf32>
      %lt3A_241 = arith.constant 0 : i32
      %lt3A_242 = vector.broadcast %lt3A_241 : i32 to vector<16xi32>
      %lt3A_243 = arith.cmpi slt, %xor3A_4, %lt3A_242 : vector<16xi32>
      %add3A_244 = arith.constant 16 : i32
      %add3A_245 = vector.broadcast %add3A_244 : i32 to vector<16xi32>
      %add3A_246 = arith.addi %xor3A_4, %add3A_245 : vector<16xi32>
      %select_n3A_247 = arith.select %lt3A_243, %add3A_246, %xor3A_4 : vector<16xi1>, vector<16xi32>
      %broadcast_in_dim3A_248 = vector.shape_cast %select_n3A_247 : vector<16xi32> to vector<16x1xi32>
      %gather3A_249 = vector.shape_cast %broadcast_in_dim3A_248 : vector<16x1xi32> to vector<16xi32>
      %gather3A_250 = tpu.dynamic_gather %select_n3A_240[%gather3A_249] in [0] : vector<16xf32>, vector<16xi32> -> vector<16xf32>
      %add3A_251 = arith.addf %select_n3A_240, %gather3A_250 : vector<16xf32>
      %lt3A_252 = arith.constant 0 : i32
      %lt3A_253 = vector.broadcast %lt3A_252 : i32 to vector<16xi32>
      %lt3A_254 = arith.cmpi slt, %xor3A_7, %lt3A_253 : vector<16xi32>
      %add3A_255 = arith.constant 16 : i32
      %add3A_256 = vector.broadcast %add3A_255 : i32 to vector<16xi32>
      %add3A_257 = arith.addi %xor3A_7, %add3A_256 : vector<16xi32>
      %select_n3A_258 = arith.select %lt3A_254, %add3A_257, %xor3A_7 : vector<16xi1>, vector<16xi32>
      %broadcast_in_dim3A_259 = vector.shape_cast %select_n3A_258 : vector<16xi32> to vector<16x1xi32>
      %gather3A_260 = vector.shape_cast %broadcast_in_dim3A_259 : vector<16x1xi32> to vector<16xi32>
      %gather3A_261 = tpu.dynamic_gather %add3A_251[%gather3A_260] in [0] : vector<16xf32>, vector<16xi32> -> vector<16xf32>
      %add3A_262 = arith.addf %add3A_251, %gather3A_261 : vector<16xf32>
      %lt3A_263 = arith.constant 0 : i32
      %lt3A_264 = vector.broadcast %lt3A_263 : i32 to vector<16xi32>
      %lt3A_265 = arith.cmpi slt, %xor3A_10, %lt3A_264 : vector<16xi32>
      %add3A_266 = arith.constant 16 : i32
      %add3A_267 = vector.broadcast %add3A_266 : i32 to vector<16xi32>
      %add3A_268 = arith.addi %xor3A_10, %add3A_267 : vector<16xi32>
      %select_n3A_269 = arith.select %lt3A_265, %add3A_268, %xor3A_10 : vector<16xi1>, vector<16xi32>
      %broadcast_in_dim3A_270 = vector.shape_cast %select_n3A_269 : vector<16xi32> to vector<16x1xi32>
      %gather3A_271 = vector.shape_cast %broadcast_in_dim3A_270 : vector<16x1xi32> to vector<16xi32>
      %gather3A_272 = tpu.dynamic_gather %add3A_262[%gather3A_271] in [0] : vector<16xf32>, vector<16xi32> -> vector<16xf32>
      %add3A_273 = arith.addf %add3A_262, %gather3A_272 : vector<16xf32>
      %lt3A_274 = arith.constant 0 : i32
      %lt3A_275 = vector.broadcast %lt3A_274 : i32 to vector<16xi32>
      %lt3A_276 = arith.cmpi slt, %xor3A_13, %lt3A_275 : vector<16xi32>
      %add3A_277 = arith.constant 16 : i32
      %add3A_278 = vector.broadcast %add3A_277 : i32 to vector<16xi32>
      %add3A_279 = arith.addi %xor3A_13, %add3A_278 : vector<16xi32>
      %select_n3A_280 = arith.select %lt3A_276, %add3A_279, %xor3A_13 : vector<16xi1>, vector<16xi32>
      %broadcast_in_dim3A_281 = vector.shape_cast %select_n3A_280 : vector<16xi32> to vector<16x1xi32>
      %gather3A_282 = vector.shape_cast %broadcast_in_dim3A_281 : vector<16x1xi32> to vector<16xi32>
      %gather3A_283 = tpu.dynamic_gather %add3A_273[%gather3A_282] in [0] : vector<16xf32>, vector<16xi32> -> vector<16xf32>
      %add3A_284 = arith.addf %add3A_273, %gather3A_283 : vector<16xf32>
      %add3A_285 = arith.constant 9.99999993E-9 : f32
      %add3A_286 = vector.broadcast %add3A_285 : f32 to vector<16xf32>
      %add3A_287 = arith.addf %add3A_284, %add3A_286 : vector<16xf32>
      %div3A = arith.divf %select_n3A_240, %add3A_287 : vector<16xf32>
      %mul3A_288 = arith.constant 16 : i32
      %mul3A_289 = arith.muli %scan3A_19, %mul3A_288 : i32
      %swap3A = arith.index_cast %mul3A_289 : i32 to index
      %swap3A_290 = tpu.vector_load %arg5[%swap3A] {strides = array<i32>} : memref<2048xf32, #tpu.memory_space<vmem>>, vector<16xf32>,
      %swap3A_291 = vector.shape_cast %swap3A_290 : vector<16xf32> to vector<16xf32>
      %swap3A_292 = vector.shape_cast %div3A : vector<16xf32> to vector<16xf32>
      tpu.vector_store %arg5[%swap3A], %swap3A_292 {strides = array<i32>} : memref<2048xf32, #tpu.memory_space<vmem>>, vector<16xf32>,
    }
    %scan3A_18 = arith.constant 128 : i32
    "tpu.region"() ({
      %run_scoped3A = tpu.sem_alloc : memref<!tpu.dma_semaphore, #tpu.memory_space<semaphore_mem>>
      %dma_start3A = tpu.memref_slice %arg3[%mul3A_2] : memref<65536xf32, #tpu.memory_space<hbm>> -> memref<2048xf32, #tpu.memory_space<hbm>>
      %dma_start3A_19 = tpu.memref_slice %arg3[%mul3A_2] : memref<65536xf32, #tpu.memory_space<hbm>> -> memref<2048xf32, #tpu.memory_space<hbm>>
      tpu.enqueue_dma source(%arg5 : memref<2048xf32, #tpu.memory_space<vmem>>) target(%dma_start3A_19 : memref<2048xf32, #tpu.memory_space<hbm>>) target_semaphore(%run_scoped3A : memref<!tpu.dma_semaphore, #tpu.memory_space<semaphore_mem>>)
      %dma_wait3A = tpu.memref_slice %arg3[%mul3A_2] : memref<65536xf32, #tpu.memory_space<hbm>> -> memref<2048xf32, #tpu.memory_space<hbm>>
      %dma_wait3A_20 = tpu.memref_slice %arg3[%mul3A_2] : memref<65536xf32, #tpu.memory_space<hbm>> -> memref<2048xf32, #tpu.memory_space<hbm>>
      tpu.wait_dma2 semaphore(%run_scoped3A : memref<!tpu.dma_semaphore, #tpu.memory_space<semaphore_mem>>) src(%arg5 : memref<2048xf32, #tpu.memory_space<vmem>>) dst(%dma_wait3A_20 : memref<2048xf32, #tpu.memory_space<hbm>>)
      tpu.yield
    }) : () -> ()
    return
  }
}

module attributes {stable_mosaic.version = 14 : i64} {
  func.func @_router_kernel(%arg0: i32, %arg1: memref<4096x1024xf32, #tpu.memory_space<vmem>>, %arg2: memref<1024x64xf32, #tpu.memory_space<vmem>>, %arg3: memref<64xf32, #tpu.memory_space<vmem>>, %arg4: memref<64x16xf32, #tpu.memory_space<vmem>>, %arg5: memref<16xf32, #tpu.memory_space<vmem>>, %arg6: memref<4096x16xf32, #tpu.memory_space<vmem>>) attributes {dimension_semantics = [#tpu.dimension_semantics<arbitrary>], iteration_bounds = array<i64: 1>, scalar_prefetch = 0 : i64, scratch_operands = 0 : i64, tpu.core_type = #tpu.core_type<tc>, window_params = [{pipeline_mode = #tpu.pipeline_mode<synchronous>, transform_indices = @transform_0, window_bounds = array<i64: 4096, 1024>}, {pipeline_mode = #tpu.pipeline_mode<synchronous>, transform_indices = @transform_1, window_bounds = array<i64: 1024, 64>}, {pipeline_mode = #tpu.pipeline_mode<synchronous>, transform_indices = @transform_2, window_bounds = array<i64: 64>}, {pipeline_mode = #tpu.pipeline_mode<synchronous>, transform_indices = @transform_3, window_bounds = array<i64: 64, 16>}, {pipeline_mode = #tpu.pipeline_mode<synchronous>, transform_indices = @transform_4, window_bounds = array<i64: 16>}, {pipeline_mode = #tpu.pipeline_mode<synchronous>, transform_indices = @transform_5, window_bounds = array<i64: 4096, 16>}]} {
    %get3A = arith.constant 0 : index
    %get3A_0 = arith.constant 0 : index
    %get3A_1 = vector.load %arg1[%get3A, %get3A_0] : memref<4096x1024xf32, #tpu.memory_space<vmem>>, vector<4096x1024xf32>
    %get3A_2 = arith.constant 0 : index
    %get3A_3 = arith.constant 0 : index
    %get3A_4 = vector.load %arg2[%get3A_2, %get3A_3] : memref<1024x64xf32, #tpu.memory_space<vmem>>, vector<1024x64xf32>
    %dot_general3A = arith.constant dense<0.000000e+00> : vector<4096x64xf32>
    %dot_general3A_5 = tpu.matmul %get3A_1, %get3A_4, %dot_general3A {dimension_numbers = #tpu.dot_dimension_numbers<[1], [0], [0], [1], [0, 0, 1, 1], [], []>, transpose_lhs_hint = false} : vector<4096x1024xf32>, vector<1024x64xf32>, vector<4096x64xf32> -> vector<4096x64xf32>
    %get3A_6 = arith.constant 0 : index
    %get3A_7 = vector.load %arg3[%get3A_6] : memref<64xf32, #tpu.memory_space<vmem>>, vector<64xf32>
    %broadcast_in_dim3A = vector.shape_cast %get3A_7 : vector<64xf32> to vector<1x64xf32>
    %add3A = vector.broadcast %broadcast_in_dim3A : vector<1x64xf32> to vector<4096x64xf32>
    %add3A_8 = arith.addf %dot_general3A_5, %add3A : vector<4096x64xf32>
    %max3A = arith.constant 0.000000e+00 : f32
    %max3A_9 = vector.broadcast %max3A : f32 to vector<4096x64xf32>
    %max3A_10 = arith.maximumf %add3A_8, %max3A_9 : vector<4096x64xf32>
    %get3A_11 = arith.constant 0 : index
    %get3A_12 = arith.constant 0 : index
    %get3A_13 = vector.load %arg4[%get3A_11, %get3A_12] : memref<64x16xf32, #tpu.memory_space<vmem>>, vector<64x16xf32>
    %dot_general3A_14 = arith.constant dense<0.000000e+00> : vector<4096x16xf32>
    %dot_general3A_15 = tpu.matmul %max3A_10, %get3A_13, %dot_general3A_14 {dimension_numbers = #tpu.dot_dimension_numbers<[1], [0], [0], [1], [0, 0, 1, 1], [], []>, transpose_lhs_hint = false} : vector<4096x64xf32>, vector<64x16xf32>, vector<4096x16xf32> -> vector<4096x16xf32>
    %get3A_16 = arith.constant 0 : index
    %get3A_17 = vector.load %arg5[%get3A_16] : memref<16xf32, #tpu.memory_space<vmem>>, vector<16xf32>
    %broadcast_in_dim3A_18 = vector.shape_cast %get3A_17 : vector<16xf32> to vector<1x16xf32>
    %add3A_19 = vector.broadcast %broadcast_in_dim3A_18 : vector<1x16xf32> to vector<4096x16xf32>
    %add3A_20 = arith.addf %dot_general3A_15, %add3A_19 : vector<4096x16xf32>
    %reduce_max3A = arith.constant dense<0xFF800000> : vector<4096xf32>
    %reduce_max3A_21 = vector.multi_reduction <maximumf>, %add3A_20, %reduce_max3A [1] : vector<4096x16xf32> to vector<4096xf32>
    %broadcast_in_dim3A_22 = vector.shape_cast %reduce_max3A_21 : vector<4096xf32> to vector<4096x1xf32>
    %sub3A = vector.broadcast %broadcast_in_dim3A_22 : vector<4096x1xf32> to vector<4096x16xf32>
    %sub3A_23 = arith.subf %add3A_20, %sub3A : vector<4096x16xf32>
    %exp3A = math.exp %sub3A_23 : vector<4096x16xf32>
    %reduce_sum3A = arith.constant dense<0.000000e+00> : vector<4096xf32>
    %reduce_sum3A_24 = vector.multi_reduction <add>, %exp3A, %reduce_sum3A [1] : vector<4096x16xf32> to vector<4096xf32>
    %broadcast_in_dim3A_25 = vector.shape_cast %reduce_sum3A_24 : vector<4096xf32> to vector<4096x1xf32>
    %div3A = vector.broadcast %broadcast_in_dim3A_25 : vector<4096x1xf32> to vector<4096x16xf32>
    %div3A_26 = arith.divf %exp3A, %div3A : vector<4096x16xf32>
    %swap3A = arith.constant 0 : index
    %swap3A_27 = arith.constant 0 : index
    %swap3A_28 = vector.load %arg6[%swap3A, %swap3A_27] : memref<4096x16xf32, #tpu.memory_space<vmem>>, vector<4096x16xf32>
    tpu.vector_store %arg6[%swap3A, %swap3A_27], %div3A_26 {strides = array<i32>} : memref<4096x16xf32, #tpu.memory_space<vmem>>, vector<4096x16xf32>,
    return
  }
  func.func @transform_0(%arg0: i32) -> (i32, i32) {
    %c0_i32 = arith.constant 0 : i32
    %c0_i32_0 = arith.constant 0 : i32
    %c0_i32_1 = arith.constant 0 : i32
    return %c0_i32, %c0_i32_0 : i32, i32
  }
  func.func @transform_1(%arg0: i32) -> (i32, i32) {
    %c0_i32 = arith.constant 0 : i32
    %c0_i32_0 = arith.constant 0 : i32
    %c0_i32_1 = arith.constant 0 : i32
    return %c0_i32, %c0_i32_0 : i32, i32
  }
  func.func @transform_2(%arg0: i32) -> i32 {
    %c0_i32 = arith.constant 0 : i32
    %c0_i32_0 = arith.constant 0 : i32
    return %c0_i32 : i32
  }
  func.func @transform_3(%arg0: i32) -> (i32, i32) {
    %c0_i32 = arith.constant 0 : i32
    %c0_i32_0 = arith.constant 0 : i32
    %c0_i32_1 = arith.constant 0 : i32
    return %c0_i32, %c0_i32_0 : i32, i32
  }
  func.func @transform_4(%arg0: i32) -> i32 {
    %c0_i32 = arith.constant 0 : i32
    %c0_i32_0 = arith.constant 0 : i32
    return %c0_i32 : i32
  }
  func.func @transform_5(%arg0: i32) -> (i32, i32) {
    %c0_i32 = arith.constant 0 : i32
    %c0_i32_0 = arith.constant 0 : i32
    %c0_i32_1 = arith.constant 0 : i32
    return %c0_i32, %c0_i32_0 : i32, i32
  }
}

module attributes {stable_mosaic.version = 14 : i64} {
  func.func @_expert_kernel(%arg0: i32, %arg1: memref<1024x1024xf32, #tpu.memory_space<vmem>>, %arg2: memref<1024x16xf32, #tpu.memory_space<vmem>>, %arg3: memref<1024x2048xbf16, #tpu.memory_space<vmem>>, %arg4: memref<1x2048xf32, #tpu.memory_space<vmem>>, %arg5: memref<2064x1024xbf16, #tpu.memory_space<vmem>>, %arg6: memref<1024x1024xf32, #tpu.memory_space<vmem>>, %arg7: memref<1024x2064xbf16, #tpu.memory_space<vmem>>) attributes {dimension_semantics = [#tpu.dimension_semantics<parallel>], iteration_bounds = array<i64: 4>, scalar_prefetch = 0 : i64, scratch_operands = 1 : i64, tpu.core_type = #tpu.core_type<tc>, window_params = [{transform_indices = @transform_0, window_bounds = array<i64: 1024, 1024>}, {transform_indices = @transform_1, window_bounds = array<i64: 1024, 16>}, {pipeline_mode = #tpu.pipeline_mode<synchronous>, transform_indices = @transform_2, window_bounds = array<i64: 1024, 2048>}, {pipeline_mode = #tpu.pipeline_mode<synchronous>, transform_indices = @transform_3, window_bounds = array<i64: 1, 2048>}, {pipeline_mode = #tpu.pipeline_mode<synchronous>, transform_indices = @transform_4, window_bounds = array<i64: 2064, 1024>}, {transform_indices = @transform_5, window_bounds = array<i64: 1024, 1024>}]} {
    %get3A = arith.constant 0 : index
    %get3A_0 = arith.constant 0 : index
    %get3A_1 = vector.load %arg1[%get3A, %get3A_0] : memref<1024x1024xf32, #tpu.memory_space<vmem>>, vector<1024x1024xf32>
    %convert_element_type3A = arith.truncf %get3A_1 : vector<1024x1024xf32> to vector<1024x1024xbf16>
    %get3A_2 = arith.constant 0 : index
    %get3A_3 = arith.constant 0 : index
    %get3A_4 = vector.load %arg3[%get3A_2, %get3A_3] : memref<1024x2048xbf16, #tpu.memory_space<vmem>>, vector<1024x2048xbf16>
    %dot_general3A = arith.constant dense<0.000000e+00> : vector<1024x2048xf32>
    %dot_general3A_5 = tpu.matmul %convert_element_type3A, %get3A_4, %dot_general3A {dimension_numbers = #tpu.dot_dimension_numbers<[1], [0], [0], [1], [0, 0, 1, 1], [], []>, transpose_lhs_hint = false} : vector<1024x1024xbf16>, vector<1024x2048xbf16>, vector<1024x2048xf32> -> vector<1024x2048xf32>
    %get3A_6 = arith.constant 0 : index
    %get3A_7 = arith.constant 0 : index
    %get3A_8 = vector.load %arg4[%get3A_6, %get3A_7] : memref<1x2048xf32, #tpu.memory_space<vmem>>, vector<1x2048xf32>
    %add3A = vector.broadcast %get3A_8 : vector<1x2048xf32> to vector<1024x2048xf32>
    %add3A_9 = arith.addf %dot_general3A_5, %add3A : vector<1024x2048xf32>
    %tanh3A = math.tanh %add3A_9 : vector<1024x2048xf32>
    %get3A_10 = arith.constant 0 : index
    %get3A_11 = arith.constant 0 : index
    %get3A_12 = vector.load %arg2[%get3A_10, %get3A_11] : memref<1024x16xf32, #tpu.memory_space<vmem>>, vector<1024x16xf32>
    %broadcast_in_dim3A = vector.shape_cast %get3A_12 : vector<1024x16xf32> to vector<1024x16x1xf32>
    %broadcast_in_dim3A_13 = vector.shape_cast %broadcast_in_dim3A : vector<1024x16x1xf32> to vector<1024x16x1xf32>
    %broadcast_in_dim3A_14 = vector.broadcast %broadcast_in_dim3A_13 : vector<1024x16x1xf32> to vector<1024x16x128xf32>
    %reshape3A = vector.shape_cast %broadcast_in_dim3A_14 : vector<1024x16x128xf32> to vector<1024x2048xf32>
    %mul3A = arith.mulf %tanh3A, %reshape3A : vector<1024x2048xf32>
    %convert_element_type3A_15 = arith.truncf %mul3A : vector<1024x2048xf32> to vector<1024x2048xbf16>
    %swap3A = arith.constant 0 : index
    %swap3A_16 = arith.constant 0 : index
    %swap3A_17 = vector.load %arg7[%swap3A, %swap3A_16] : memref<1024x2064xbf16, #tpu.memory_space<vmem>>, vector<1024x2048xbf16>
    tpu.vector_store %arg7[%swap3A, %swap3A_16], %convert_element_type3A_15 {strides = array<i32>} : memref<1024x2064xbf16, #tpu.memory_space<vmem>>, vector<1024x2048xbf16>,
    %convert_element_type3A_18 = arith.truncf %get3A_12 : vector<1024x16xf32> to vector<1024x16xbf16>
    %swap3A_19 = arith.constant 0 : index
    %swap3A_20 = arith.constant 2048 : index
    %swap3A_21 = vector.load %arg7[%swap3A_19, %swap3A_20] : memref<1024x2064xbf16, #tpu.memory_space<vmem>>, vector<1024x16xbf16>
    tpu.vector_store %arg7[%swap3A_19, %swap3A_20], %convert_element_type3A_18 {strides = array<i32>} : memref<1024x2064xbf16, #tpu.memory_space<vmem>>, vector<1024x16xbf16>,
    %get3A_22 = arith.constant 0 : index
    %get3A_23 = arith.constant 0 : index
    %get3A_24 = vector.load %arg7[%get3A_22, %get3A_23] : memref<1024x2064xbf16, #tpu.memory_space<vmem>>, vector<1024x2064xbf16>
    %get3A_25 = arith.constant 0 : index
    %get3A_26 = arith.constant 0 : index
    %get3A_27 = vector.load %arg5[%get3A_25, %get3A_26] : memref<2064x1024xbf16, #tpu.memory_space<vmem>>, vector<2064x1024xbf16>
    %dot_general3A_28 = arith.constant dense<0.000000e+00> : vector<1024x1024xf32>
    %dot_general3A_29 = tpu.matmul %get3A_24, %get3A_27, %dot_general3A_28 {dimension_numbers = #tpu.dot_dimension_numbers<[1], [0], [0], [1], [0, 0, 1, 1], [], []>, transpose_lhs_hint = false} : vector<1024x2064xbf16>, vector<2064x1024xbf16>, vector<1024x1024xf32> -> vector<1024x1024xf32>
    %swap3A_30 = arith.constant 0 : index
    %swap3A_31 = arith.constant 0 : index
    %swap3A_32 = vector.load %arg6[%swap3A_30, %swap3A_31] : memref<1024x1024xf32, #tpu.memory_space<vmem>>, vector<1024x1024xf32>
    tpu.vector_store %arg6[%swap3A_30, %swap3A_31], %dot_general3A_29 {strides = array<i32>} : memref<1024x1024xf32, #tpu.memory_space<vmem>>, vector<1024x1024xf32>,
    return
  }
  func.func @transform_0(%arg0: i32) -> (i32, i32) {
    %c0_i32 = arith.constant 0 : i32
    %c0_i32_0 = arith.constant 0 : i32
    return %arg0, %c0_i32 : i32, i32
  }
  func.func @transform_1(%arg0: i32) -> (i32, i32) {
    %c0_i32 = arith.constant 0 : i32
    %c0_i32_0 = arith.constant 0 : i32
    return %arg0, %c0_i32 : i32, i32
  }
  func.func @transform_2(%arg0: i32) -> (i32, i32) {
    %c0_i32 = arith.constant 0 : i32
    %c0_i32_0 = arith.constant 0 : i32
    %c0_i32_1 = arith.constant 0 : i32
    return %c0_i32, %c0_i32_0 : i32, i32
  }
  func.func @transform_3(%arg0: i32) -> (i32, i32) {
    %c0_i32 = arith.constant 0 : i32
    %c0_i32_0 = arith.constant 0 : i32
    %c0_i32_1 = arith.constant 0 : i32
    return %c0_i32, %c0_i32_0 : i32, i32
  }
  func.func @transform_4(%arg0: i32) -> (i32, i32) {
    %c0_i32 = arith.constant 0 : i32
    %c0_i32_0 = arith.constant 0 : i32
    %c0_i32_1 = arith.constant 0 : i32
    return %c0_i32, %c0_i32_0 : i32, i32
  }
  func.func @transform_5(%arg0: i32) -> (i32, i32) {
    %c0_i32 = arith.constant 0 : i32
    %c0_i32_0 = arith.constant 0 : i32
    return %arg0, %c0_i32 : i32, i32
  }
}

</mosaic_0001>

<sc_bundles>
// kernel: kernel.5.cloned.1.call-start
scs
__scs_entry_jumppad:
0x0: {  	(pc) =	sbr.rel $0x88, $3  }
0x1: {  	(tag) =	ssettag $0x0;
	lr =	simm.s32 $0x1  }
0x2: {  	[smem:$0x3F98] =	sst lr;
	_ =	strace $0xD0000000  }
0x3: {  	_ = 	snop  }
0x4: {  	_ = 	snop  }
0x5: {  	_ = 	snop  }
0x6: {  	_ = 	snop  }
0x7: {  	_ = 	snop  }
__scs_overlays_trampoline_lowered:
0x8: {  	[smem:$0x3FA7] =	sst s0  }
0x9: {  	[smem:$0x3FA8] =	sst s1  }
0xa: {  	[smem:$0x3FA9] =	sst s2  }
0xb: {  	[smem:$0x3FAA] =	sst s3  }
0xc: {  	[smem:$0x3FAB] =	sst s4  }
0xd: {  	[smem:$0x3FAC] =	sst s5  }
0xe: {  	[smem:$0x3FAD] =	sst s6  }
0xf: {  	[smem:$0x3FAE] =	sst s7  }
0x10: {  	[smem:$0x3FAF] =	sst s8  }
0x11: {  	[smem:$0x3FB0] =	sst s9;
	s0 =	simm.s32 @!p0 $0x0  }
0x12: {  	s1 =	sld [smem:$0x3F96];
	s0 =	simm.s32 @p0 $0x1  }
0x13: {  	[smem:$0x3FB1] =	sst s0;
	s0 =	simm.s32 @!p1 $0x0  }
0x14: {  	s2 =	sld [smem:$0x3F95];
	s0 =	simm.s32 @p1 $0x1  }
0x15: {  	[smem:$0x3FB2] =	sst s0;
	s0 =	simm.s32 @!p2 $0x0  }
0x16: {  	s3 =	sld [smem:$0x3FDB];
	s0 =	simm.s32 @p2 $0x1  }
0x17: {  	s4 =	simm.s32 $0x1BF5;
	[smem:$0x3FB4] =	sst s0  }
0x18: {  	s0 =	sld [smem:$0x3F97];
	_ =	swait.ge [sflag:s4], $0x0  }
0x19: {  	s7 =	sld [smem:$0x3F98]  }
0x1a: {  	s8 =	sadd.s32 $0xFFFFE003, lr  }
0x1b: {  	s9 =	sadd.s32 $0xFFFFFEF7, lr;
	s5 =	simm.s32 $0xFFFFFFFF;
	p2 =	slt.u32 s8, $0xFFFFF086  }
0x1c: {  	p1 =	slt.u32 s9, $0xF7A;
	s5 =	simm.s32 @!p2 $0x0  }
0x1d: {  	s5 =	simm.s32 @p1 $0x1;
	p0 =	seq.s32 s7, s2  }
0x1e: {  	s7 =	smul.u32 @!p0 $0xF7A, s2;
	p2 =	seq.s32 @!p0 s5, $0x0  }
0x1f: {  	s9 =	smul.u32 $0xF7A, s1;
	s8 =	simm.s32 @!p0 $0x1BF5;
	p2 =	por !p2, p0  }
0x20: {  	[sflag:s8] =	ssyncset.s32 @!p0 $0xFFFFF086;
	s6 =	sadd.s32 @!p0 s3, s7;
	s7 =	simm.s32 @!p0 $0x108  }
0x21: {  	s3 =	sadd.s32 s3, s9;
	s6 =	sadd.s32 @!p0 $0x88, s6;
	s7 =	simm.s32 @p2 $0x1082  }
0x22: {  	[simem:s7], [sflag:s8] =	dma.local @!p0 [hbm:s6], $0xF7A  }
0x23: {  	s9 =	sor.u32 $0xD0000000, s2;
	s6 =	simm.s32 $0x108;
	_ =	swait.ge @!p0 [sflag:s8], $0x0  }
0x24: {  	s3 =	sadd.s32 $0x88, s3;
	s6 =	simm.s32 @!p1 $0x1082;
	[sflag:s4] =	ssyncset.s32 $0xFFFFF086  }
0x25: {  	[simem:s6], [sflag:s4] =	dma.local [hbm:s3], $0xF7A  }
0x26: {  	[smem:$0x3F98] =	sst s1;
	(tag) =	ssettag s2;
	_ =	strace s9  }
0x27: {  	s1 =	sld [smem:$0x3FA8]  }
0x28: {  	s2 =	sld [smem:$0x3FA9]  }
0x29: {  	s4 =	sld [smem:$0x3FAB]  }
0x2a: {  	p0 =	seq.s32 s5, $0x0;
	s5 =	sld [smem:$0x3FAC]  }
0x2b: {  	s6 =	sld [smem:$0x3FAD]  }
0x2c: {  	s7 =	sld [smem:$0x3FAE]  }
0x2d: {  	s3 =	simm.s32 $0x108;
	s8 =	sld [smem:$0x3FAF]  }
0x2e: {  	s3 =	simm.s32 @!p0 $0x1082;
	s9 =	sld [smem:$0x3FB0]  }
0x2f: {  	lr =	sadd.s32 s0, s3;
	s0 =	sld [smem:$0x3FA7]  }
0x30: {  	s3 =	sld [smem:$0x3FAA]  }
0x31: {  	[smem:$0x3FB3] =	sst s10  }
0x32: {  	s10 =	sld [smem:$0x3FB1];
	_ =	sdelay $0x3  }
0x33: {  	p0 =	seq.s32 s10, $0x1;
	s10 =	sld [smem:$0x3FB3];
	_ =	sdelay $0x3  }
0x34: {  	[smem:$0x3FB3] =	sst s10  }
0x35: {  	s10 =	sld [smem:$0x3FB2];
	_ =	sdelay $0x3  }
0x36: {  	p1 =	seq.s32 s10, $0x1;
	s10 =	sld [smem:$0x3FB3];
	_ =	sdelay $0x3  }
0x37: {  	[smem:$0x3FB3] =	sst s10  }
0x38: {  	s10 =	sld [smem:$0x3FB4]  }
0x39: {  	_ = 	snop;
	(pc) =	sbr.ind lr, $3  }
0x3a: {  	_ = 	snop  }
0x3b: {  	_ = 	snop  }
0x3c: {  	p2 =	seq.s32 s10, $0x1;
	s10 =	sld [smem:$0x3FB3]  }
0x3d: {  	_ =	shalt  }
0x3e: {  	_ =	shalt  }
0x3f: {  	_ =	shalt  }
0x40: {  	_ =	shalt  }
0x41: {  	_ =	shalt  }
0x42: {  	_ =	shalt  }
0x43: {  	_ =	shalt  }
0x44: {  	_ =	shalt  }
0x45: {  	_ =	shalt  }
0x46: {  	_ =	shalt  }
0x47: {  	_ =	shalt  }
0x48: {  	_ =	shalt  }
0x49: {  	_ =	shalt  }
0x4a: {  	_ =	shalt  }
0x4b: {  	_ =	shalt  }
0x4c: {  	_ =	shalt  }
0x4d: {  	_ =	shalt  }
0x4e: {  	_ =	shalt  }
0x4f: {  	_ =	shalt  }
0x50: {  	_ =	shalt  }
0x51: {  	_ =	shalt  }
0x52: {  	_ =	shalt  }
0x53: {  	_ =	shalt  }
0x54: {  	_ =	shalt  }
0x55: {  	_ =	shalt  }
0x56: {  	_ =	shalt  }
0x57: {  	_ =	shalt  }
0x58: {  	_ =	shalt  }
0x59: {  	_ =	shalt  }
0x5a: {  	_ =	shalt  }
0x5b: {  	_ =	shalt  }
0x5c: {  	_ =	shalt  }
0x5d: {  	_ =	shalt  }
0x5e: {  	_ =	shalt  }
0x5f: {  	_ =	shalt  }
0x60: {  	_ =	shalt  }
0x61: {  	_ =	shalt  }
0x62: {  	_ =	shalt  }
0x63: {  	_ =	shalt  }
0x64: {  	_ =	shalt  }
0x65: {  	_ =	shalt  }
0x66: {  	_ =	shalt  }
0x67: {  	_ =	shalt  }
0x68: {  	_ =	shalt  }
0x69: {  	_ =	shalt  }
0x6a: {  	_ =	shalt  }
0x6b: {  	_ =	shalt  }
0x6c: {  	_ =	shalt  }
0x6d: {  	_ =	shalt  }
0x6e: {  	_ =	shalt  }
0x6f: {  	_ =	shalt  }
0x70: {  	_ =	shalt  }
0x71: {  	_ =	shalt  }
0x72: {  	_ =	shalt  }
0x73: {  	_ =	shalt  }
0x74: {  	_ =	shalt  }
0x75: {  	_ =	shalt  }
0x76: {  	_ =	shalt  }
0x77: {  	_ =	shalt  }
0x78: {  	_ =	shalt  }
0x79: {  	_ =	shalt  }
0x7a: {  	_ =	shalt  }
0x7b: {  	_ =	shalt  }
0x7c: {  	_ =	shalt  }
0x7d: {  	_ =	shalt  }
0x7e: {  	_ =	shalt  }
0x7f: {  	_ =	shalt  }
0x80: {  	_ =	shalt  }
0x81: {  	_ =	shalt  }
0x82: {  	_ =	shalt  }
0x83: {  	_ =	shalt  }
0x84: {  	_ =	shalt  }
0x85: {  	_ =	shalt  }
0x86: {  	_ =	shalt  }
0x87: {  	_ =	shalt  }
.Lfunc_end0:
.L_simem_size_0:
called_computation_lowered:
.L_overlay_start_0:
0x88: {  	s2 =	sld [smem:$0x3FD9]  }
0x89: {  	s3 =	sld [smem:$0x3FFE];
	_ =	sdelay $0x1  }
0x8a: {  	s1 =	srdreg.scid  }
0x8b: {  	s0 =	sand.u32 $0x1, s1  }
0x8c: {  	s14 =	sshll.u32 s0, $0xA;
	s2 =	sadd.s32 s3, s2  }
0x8d: {  	s2 =	sadd.s32 s2, s14  }
0x8e: {  	[smem:$0x3FBF] =	sst s2  }
0x8f: {  	_ = 	snop  }
0x90: {  	s2 =	sld [smem:$0x3FD0];
	_ =	sdelay $0x2  }
0x91: {  	s15 =	simm.s32 $0xA;
	s4 =	simm.s32 $0x10  }
0x92: {  	[smem:s4], [sflag:s15] =	dma.local [hbm:s2], $0x1  }
0x93: {  	_ =	swait.eq [sflag:s15], $0x1  }
0x94: {  	[sflag:s15] =	ssyncset.done $0x0  }
0x95: {  	[sflag:s15] =	ssyncadd.s32 $0xFFFFFFFF  }
0x96: {  	s16 =	sld [smem:$0x10];
	(tm) =	ssettm $0x1  }
0x97: {  	s17 =	sld [smem:$0x3FFB];
	_ =	sdelay $0x3  }
0x98: {  	_ =	strace s17  }
0x99: {  	s3 =	sld [smem:$0x3FFC];
	_ =	sdelay $0x3  }
0x9a: {  	_ =	strace s3  }
0x9b: {  	s3 =	sld [smem:$0x3FFD];
	_ =	sdelay $0x3  }
0x9c: {  	_ =	strace s3  }
0x9d: {  	_ =	strace $0x8FFFFFFF  }
0x9e: {  	s18 =	sld [smem:$0x3FDB];
	_ =	sdelay $0x1  }
0x9f: {  	s19 =	simm.s32 $_scs_section_size  }
0xa0: {  	s5 =	simm.s32 $_size__tile_overlayer_lowered;
	s6 =	simm.s32 $_tile_overlayer_lowered  }
0xa1: {  	s22 =	simm.s32 $0x1BFF;
	s21 =	sshll.u32 s6, $0x1;
	s3 =	sadd.s32 s19, s18  }
0xa2: {  	s7 =	simm.s32 $0x0;
	s20 =	sshll.u32 s5, $0x1;
	s5 =	sadd.s32 s21, s3  }
0xa3: {  	[timem:s7], [sflag:s22] =	dma.local [hbm:s5], s20  }
0xa4: {  	_ =	swait.ge [sflag:s22], s20  }
0xa5: {  	s4 =	ssub.s32 $0x0, s20;
	[sflag:s22] =	ssyncset.done $0x0  }
0xa6: {  	[sflag:s22] =	ssyncadd.s32 s4;
	_ =	sdelay $0x1  }
0xa7: {  	s23 =	simm.s32 $0x1B8B  }
0xa8: {  	_ =	swait.ge [sflag:s23], $0x1  }
0xa9: {  	[sflag:s23] =	ssyncset.done $0x0  }
0xaa: {  	s25 =	simm.s32 $0x1B8E;
	s24 =	sld [smem:$0x3FFE];
	[sflag:s23] =	ssyncadd.s32 $0xFFFFFFFF  }
0xab: {  	s26 =	simm.s32 $execute0_lowered;
	[smem:$0x3FD2] =	sst s25  }
0xac: {  	s5 =	sshll.u32 s26, $0x1;
	_ =	strace $0x80000046;
	[dreg:$0x1] =	wrdreg $0xFFFFFFFF  }
0xad: {  	s28 =	simm.s32 $_size_execute0_lowered;
	s3 =	sadd.s32 s3, s5;
	[dreg:$0x0] =	wrdreg $0x0  }
0xae: {  	s5 =	sshll.u32 s28, $0x1;
	[dreg:$0x2] =	wrdreg s3  }
0xaf: {  	[dreg:$0x3] =	wrdreg s5  }
0xb0: {  	[dreg:$0x4] =	wrdreg $0xC0  }
0xb1: {  	_ =	task [dreg:s7], $0x5FFFF  }
0xb2: {  	[dreg:$0x1] =	wrdreg $0xFFFFFFFF  }
0xb3: {  	[dreg:$0x0] =	wrdreg $0x60  }
0xb4: {  	[dreg:$0x2] =	wrdreg s16  }
0xb5: {  	[dreg:$0x3] =	wrdreg s24  }
0xb6: {  	[dreg:$0x4] =	wrdreg $0x9  }
0xb7: {  	_ =	task.clear_ibuf [dreg:s7], $0x5FFFF;
	_ =	strace $0x90000046  }
0xb8: {  	s29 =	simm.s32 $0x9;
	_ =	strace $0x80000048  }
0xb9: {  	_ =	swait.ge [sflag:s29], $0x1  }
0xba: {  	[sflag:s29] =	ssyncadd.s32 $0xFFFFFFFF  }
0xbb: {  	_ =	strace $0x90000048  }
0xbc: {  	_ =	sfence  }
0xbd: {  	s30 =	sld [smem:$0x0];
	_ =	sdelay $0x2  }
0xbe: {  	s31 =	sshll.u32 s1, $0xD;
	s1 =	sshrl.u32 s1, $0x2  }
0xbf: {  	s3 =	sand.u32 $0x4000, s31;
	s1 =	sadd.s32 s1, s30  }
0xc0: {  	s0 =	sor.u32 s3, s0;
	s1 =	sshll.u32 s1, $0x11  }
0xc1: {  	s0 =	sor.u32 s1, s0  }
0xc2: {  	s0 =	sadd.s32 $0x8F2B, s0  }
0xc3: {  	[sflag:s0] =	ssyncadd.remote.s32 $0x1  }
0xc4: {  	_ =	sfence.sel $0xFFFF  }
0xc5: {  	[dreg:$0x0] =	wrdreg $0xFFFFFFFF;
	(pc) =	sbr.abs _section_cstart, $3  }
0xc6: {  	[dreg:$0x1] =	wrdreg $0xFFFFFFFF  }
0xc7: {  	_ =	task.clear_ibuf [dreg:s7], $0x2FFFF;
	_ =	strace $0x9FFFFFFF  }
0xc8: {  	(tm) =	ssettm $0x7FFFFFFF  }
0xc9: {  	_ =	shalt  }
tec
execute0_lowered:
.L_overlay_start_1:
0x0: {  	(tag) =	ssettag $0x1  }
0x1: {  	v0 =	vimm.s32 $0xEFCDAB89;
	v1 =	vimm.s32 $0x67452301  }
0x2: {  	v0 =	vunpack.c.l.s4.s8 v0;
	v1 =	vunpack.c.l.s4.s8 v1;
	_ =	sdelay $0x1  }
0x3: {  	v0 =	vunpack.c.0.s8.s32 v0;
	v1 =	vunpack.c.0.s8.s32 v1;
	_ =	sdelay $0x1  }
0x4: {  	v0 =	vcombine.low v1, v0;
	v1 =	vimm.s32 $0xDCFE98BA  }
0x5: {  	v2 =	vunpack.c.l.s4.s8 v1  }
0x6: {  	v4 =	vimm.s32 $0xBA98FEDC;
	v5 =	vimm.s32 $0x32107654  }
0x7: {  	s3 =	rddreg [dreg:$0x0];
	v4 =	vunpack.c.l.s4.s8 v4;
	v3 =	vunpack.c.0.s8.s32 v2;
	v2 =	vimm.s32 $0x54761032  }
0x8: {  	s4 =	rddreg [dreg:$0x1];
	v6 =	vimm.s32 $0xFEDCBA98;
	v5 =	vunpack.c.l.s4.s8 v5;
	v2 =	vunpack.c.l.s4.s8 v2  }
0x9: {  	s0 =	rddreg [dreg:$0x2];
	s5 =	srdreg.scid;
	v6 =	vunpack.c.l.s4.s8 v6;
	v4 =	vunpack.c.0.s8.s32 v4  }
0xa: {  	s2 =	simm.s32 $0x0;
	s1 =	stileid.u32;
	s8 =	simm.s32 $0x0;
	v5 =	vunpack.c.0.s8.s32 v5;
	v7 =	vunpack.c.0.s8.s32 v2;
	v2 =	vimm.s32 $0x76543210  }
0xb: {  	s5 =	sand.u32 $0x1, s5;
	s6 =	sshll.u32 s1, $0x9;
	[smem:$0x7FF] =	sst s2;
	v6 =	vunpack.c.0.s8.s32 v6;
	v8 =	vunpack.c.l.s4.s8 v2  }
0xc: {  	s7 =	sshll.u32 s5, $0x8;
	s5 =	ssub.s32 $0x2, s5;
	_ =	strace $0x80000047;
	v4 =	vcombine.low v5, v4;
	v1 =	vlaneseq.u32;
	v0 =	vand.u32 $0xF, v0  }
0xd: {  	s6 =	sor.u32 s7, s6;
	s31 =	sshrl.u32 s5, $0x1;
	s7 =	simm.s32 $0x800;
	v2 =	vperm.xlane v1, v0;
	v3 =	vcombine.low v7, v3;
	v5 =	vunpack.c.0.s8.s32 v8  }
0xe: {  	s4 =	sadd.s32 s6, s4;
	s5 =	ssub.s32 s5, s31;
	s3 =	sadd.s32 s3, s6;
	v6 =	vand.u32 $0xF, v6;
	v4 =	vand.u32 $0xF, v4  }
0xf: {  	s6 =	simm.s32 $0x1;
	s4 =	sadd.s32 $0x1800, s4;
	s5 =	smax.u32 s5, $0x1;
	vm0 =	vlt.s32 v2, v1;
	v3 =	vand.u32 $0xF, v3;
	v5 =	vcombine.low v6, v5  }
.LBB2_1:
0x10: {  	[tilespmem:s2], [sflag:$0x1] =	stream.linear.gather [hbm4b:s3+s2], $0x800, $0x38;
	[tilespmem:$0x1000] =	vst v63  }
0x11: {  	_ =	swait.ge [sflag:s6], $0x800  }
0x12: {  	[sflag:s6] =	ssyncset.done $0x0  }
0x13: {  	s9 =	simm.s32 $0x0;
	[sflag:s6] =	ssyncadd.s32 $0xFFFFF800  }
0x14: {  	v7 =	vld [tilespmem:s9+$0x0];
	_ =	sdelay $0x4  }
0x15: {  	v6 =	vperm.xlane v7, v0;
	_ =	sdelay $0x1  }
0x16: {  	vm1 =	veq.f32 v6, v7  }
0x17: {  	vm2 =	vgt.f32 v6, v7;
	vm1 =	vmand vm1, vm0  }
0x18: {  	vm1 =	vmor vm2, vm1  }
0x19: {  	v6 =	vsel vm1, v6, v7;
	v8 =	vsel vm1, v2, v1  }
0x1a: {  	v9 =	vperm.xlane v6, v3;
	v10 =	vperm.xlane v8, v3;
	_ =	sdelay $0x1  }
0x1b: {  	vm1 =	veq.f32 v9, v6;
	vm2 =	vlt.s32 v10, v8  }
0x1c: {  	vm3 =	vgt.f32 v9, v6;
	vm1 =	vmand vm1, vm2  }
0x1d: {  	vm1 =	vmor vm3, vm1  }
0x1e: {  	v6 =	vsel vm1, v9, v6;
	v8 =	vsel vm1, v10, v8  }
0x1f: {  	v9 =	vperm.xlane v6, v4;
	v10 =	vperm.xlane v8, v4;
	_ =	sdelay $0x1  }
0x20: {  	vm1 =	veq.f32 v9, v6;
	vm2 =	vlt.s32 v10, v8  }
0x21: {  	vm3 =	vgt.f32 v9, v6;
	vm1 =	vmand vm1, vm2  }
0x22: {  	vm1 =	vmor vm3, vm1  }
0x23: {  	v6 =	vsel vm1, v9, v6;
	v9 =	vsel vm1, v10, v8  }
0x24: {  	s10 =	simm.s32 $0x10;
	v10 =	vperm.xlane v6, v5;
	v11 =	vperm.xlane v9, v5  }
0x25: {  	v8 =	vld [tilespmem:s10+$0x0]  }
0x26: {  	vm1 =	veq.f32 v10, v6;
	vm2 =	vlt.s32 v11, v9  }
0x27: {  	vm3 =	vgt.f32 v10, v6;
	vm1 =	vmand vm1, vm2  }
0x28: {  	vm1 =	vmor vm3, vm1  }
0x29: {  	v6 =	vsel vm1, v11, v9  }
0x2a: {  	v9 =	vperm.xlane v8, v0;
	vm1 =	veq.s32 v6, v1  }
0x2b: {  	v6 =	vsel vm1, $0xFF800000, v7  }
0x2c: {  	vm2 =	veq.f32 v9, v8;
	v10 =	vperm.xlane v6, v0  }
0x2d: {  	vm3 =	vgt.f32 v9, v8;
	vm2 =	vmand vm2, vm0  }
0x2e: {  	vm2 =	vmor vm3, vm2;
	vm3 =	veq.f32 v10, v6  }
0x2f: {  	v9 =	vsel vm2, v9, v8;
	vm4 =	vgt.f32 v10, v6;
	vm3 =	vmand vm0, vm3  }
0x30: {  	v11 =	vsel vm2, v2, v1;
	v12 =	vperm.xlane v9, v3;
	vm2 =	vmor vm4, vm3  }
0x31: {  	v13 =	vperm.xlane v11, v3;
	v6 =	vsel vm2, v10, v6;
	v10 =	vsel vm2, v2, v1  }
0x32: {  	v14 =	vperm.xlane v6, v3;
	v15 =	vperm.xlane v10, v3  }
0x33: {  	vm2 =	vgt.f32 v12, v9;
	vm3 =	veq.f32 v12, v9;
	vm4 =	vlt.s32 v13, v11  }
0x34: {  	vm3 =	vmand vm3, vm4;
	vm4 =	veq.f32 v14, v6;
	vm5 =	vlt.s32 v15, v10  }
0x35: {  	vm2 =	vmor vm2, vm3;
	vm3 =	vgt.f32 v14, v6;
	vm4 =	vmand vm4, vm5  }
0x36: {  	v9 =	vsel vm2, v12, v9;
	vm3 =	vmor vm3, vm4  }
0x37: {  	v12 =	vperm.xlane v9, v4;
	v14 =	vsel vm3, v14, v6;
	v10 =	vsel vm3, v15, v10  }
0x38: {  	v11 =	vsel vm2, v13, v11;
	v44 =	vperm.xlane v14, v4;
	v15 =	vperm.xlane v10, v4  }
0x39: {  	v16 =	vperm.xlane v11, v4  }
0x3a: {  	vm2 =	veq.f32 v12, v9;
	vm3 =	veq.f32 v44, v14;
	vm4 =	vlt.s32 v15, v10  }
0x3b: {  	s11 =	simm.s32 $0x20;
	vm5 =	vlt.s32 v16, v11;
	vm6 =	vgt.f32 v44, v14;
	vm3 =	vmand vm3, vm4  }
0x3c: {  	v6 =	vld [tilespmem:s11+$0x0];
	vm2 =	vmand vm2, vm5;
	vm4 =	vgt.f32 v12, v9;
	vm3 =	vmor vm6, vm3  }
0x3d: {  	vm2 =	vmor vm4, vm2;
	v13 =	vsel vm3, v44, v14;
	v10 =	vsel vm3, v15, v10  }
0x3e: {  	v9 =	vsel vm2, v12, v9;
	v45 =	vperm.xlane v13, v5;
	v46 =	vperm.xlane v10, v5  }
0x3f: {  	v11 =	vsel vm2, v16, v11;
	v47 =	vperm.xlane v9, v5  }
0x40: {  	v16 =	vperm.xlane v11, v5;
	vm2 =	veq.f32 v45, v13;
	vm3 =	vlt.s32 v46, v10  }
0x41: {  	v17 =	vperm.xlane v6, v0;
	vm4 =	vgt.f32 v45, v13;
	vm2 =	vmand vm2, vm3  }
0x42: {  	vm5 =	vlt.s32 v16, v11;
	vm3 =	veq.f32 v47, v9;
	vm2 =	vmor vm4, vm2  }
0x43: {  	vm4 =	vgt.f32 v47, v9;
	vm3 =	vmand vm3, vm5;
	v9 =	vsel vm2, v46, v10  }
0x44: {  	vm2 =	vmor vm4, vm3;
	vm3 =	veq.s32 v9, v1  }
0x45: {  	vm4 =	vgt.f32 v17, v6;
	v9 =	vsel vm2, v16, v11;
	vm2 =	vmor vm1, vm3  }
0x46: {  	vm3 =	veq.f32 v17, v6;
	vm1 =	veq.s32 v9, v1;
	v9 =	vnsel vm2, $0x0, v7  }
0x47: {  	vm2 =	vmand vm3, vm0;
	v7 =	vsel vm1, $0xFF800000, v8;
	v10 =	vperm.xlane v9, v0  }
0x48: {  	vm2 =	vmor vm4, vm2;
	v11 =	vperm.xlane v7, v0  }
0x49: {  	v48 =	vsel vm2, v17, v6;
	v10 =	vadd.f32 v9, v10  }
0x4a: {  	v49 =	vsel vm2, v2, v1;
	v50 =	vperm.xlane v48, v3;
	vm2 =	veq.f32 v11, v7  }
0x4b: {  	vm3 =	vgt.f32 v11, v7;
	vm2 =	vmand vm0, vm2;
	v51 =	vperm.xlane v10, v3  }
0x4c: {  	v52 =	vperm.xlane v49, v3;
	vm4 =	vgt.f32 v50, v48;
	vm2 =	vmor vm3, vm2  }
0x4d: {  	vm3 =	veq.f32 v50, v48;
	v7 =	vsel vm2, v11, v7;
	v10 =	vadd.f32 v10, v51  }
0x4e: {  	vm5 =	vlt.s32 v52, v49;
	v11 =	vsel vm2, v2, v1;
	v53 =	vperm.xlane v7, v3  }
0x4f: {  	vm2 =	vmand vm3, vm5;
	v54 =	vperm.xlane v11, v3;
	v18 =	vperm.xlane v10, v4  }
0x50: {  	vm2 =	vmor vm4, vm2  }
0x51: {  	vm3 =	veq.f32 v53, v7;
	vm4 =	vlt.s32 v54, v11;
	v10 =	vadd.f32 v10, v18  }
0x52: {  	v12 =	vsel vm2, v50, v48;
	vm5 =	vgt.f32 v53, v7;
	vm3 =	vmand vm3, vm4  }
0x53: {  	v13 =	vsel vm2, v52, v49;
	vm2 =	vmor vm5, vm3;
	v55 =	vperm.xlane v10, v5  }
0x54: {  	v56 =	vperm.xlane v12, v4;
	v15 =	vsel vm2, v53, v7;
	v11 =	vsel vm2, v54, v11  }
0x55: {  	v57 =	vperm.xlane v15, v4;
	v58 =	vperm.xlane v11, v4;
	v7 =	vadd.f32 v10, v55  }
0x56: {  	vm3 =	veq.f32 v56, v12;
	vm2 =	vgt.f32 v56, v12;
	v10 =	vperm.xlane v13, v4  }
0x57: {  	vm4 =	veq.f32 v57, v15;
	vm5 =	vlt.s32 v58, v11;
	v14 =	vadd.f32 $9.999999930e-09, v7  }
0x58: {  	s12 =	simm.s32 $0x30;
	vm7 =	vgt.f32 v57, v15;
	vm4 =	vmand vm4, vm5;
	vm15 =	vlt.s32 v10, v13  }
0x59: {  	v7 =	vld [tilespmem:s12+$0x0];
	vm4 =	vmor vm7, vm4;
	vm3 =	vmand vm3, vm15;
	(erf) = vrcp.f32 v14  }
0x5a: {  	v59 =	vsel vm4, v57, v15;
	v11 =	vsel vm4, v58, v11;
	vm2 =	vmor vm2, vm3  }
0x5b: {  	v15 =	vperm.xlane v59, v5;
	v60 =	vperm.xlane v11, v5;
	v12 =	vsel vm2, v56, v12  }
0x5c: {  	v13 =	vsel vm2, v10, v13;
	v61 =	vperm.xlane v12, v5  }
0x5d: {  	v62 =	vperm.xlane v13, v5;
	vm2 =	veq.f32 v15, v59;
	vm3 =	vlt.s32 v60, v11  }
0x5e: {  	vm4 =	vgt.f32 v15, v59;
	v10 =	vperm.xlane v7, v0;
	vm2 =	vmand vm2, vm3  }
0x5f: {  	vm3 =	veq.f32 v61, v12;
	vm5 =	vlt.s32 v62, v13;
	vm2 =	vmor vm4, vm2  }
0x60: {  	vm4 =	vgt.f32 v61, v12;
	vm3 =	vmand vm3, vm5;
	v11 =	vsel vm2, v60, v11  }
0x61: {  	vm2 =	vgt.f32 v10, v7;
	vm4 =	vmor vm4, vm3;
	vm5 =	veq.s32 v11, v1  }
0x62: {  	vm3 =	veq.f32 v10, v7;
	v11 =	vsel vm4, v62, v13;
	vm4 =	vmor vm1, vm5;
	v63 =	vpop (erf)  }
0x63: {  	s13 =	simm.s32 $0x100;
	vm1 =	veq.s32 v11, v1;
	v8 =	vnsel vm4, $0x0, v8;
	v9 =	vmul.f32 v63, v9  }
.LBB2_2:
0x64: {  	p0 =	sne.s32 s13, $0x1FC0;
	vm3 =	vmand vm3, vm0;
	v11 =	vsel vm1, $0xFF800000, v6;
	v12 =	vperm.xlane v8, v0  }
0x65: {  	vm2 =	vmor vm2, vm3;
	v13 =	vperm.xlane v11, v0;
	[tilespmem:s9+$0x800] =	vst v9;
	s9 =	smov.u32 s10;
	s10 =	smov.u32 s11;
	s11 =	smov.u32 s12  }
0x66: {  	v9 =	vsel vm2, v10, v7;
	v10 =	vadd.f32 v8, v12  }
0x67: {  	v12 =	vsel vm2, v2, v1;
	v14 =	vperm.xlane v9, v3;
	vm2 =	veq.f32 v13, v11  }
0x68: {  	vm3 =	vgt.f32 v13, v11;
	vm2 =	vmand vm0, vm2;
	v15 =	vperm.xlane v10, v3  }
0x69: {  	v16 =	vperm.xlane v12, v3;
	vm4 =	vgt.f32 v14, v9;
	vm2 =	vmor vm3, vm2  }
0x6a: {  	vm3 =	veq.f32 v14, v9;
	v11 =	vsel vm2, v13, v11;
	v10 =	vadd.f32 v10, v15  }
0x6b: {  	vm5 =	vlt.s32 v16, v12;
	v13 =	vsel vm2, v2, v1;
	v15 =	vperm.xlane v11, v3  }
0x6c: {  	vm2 =	vmand vm3, vm5;
	v17 =	vperm.xlane v13, v3;
	v18 =	vperm.xlane v10, v4  }
0x6d: {  	vm2 =	vmor vm4, vm2  }
0x6e: {  	vm3 =	veq.f32 v15, v11;
	vm4 =	vlt.s32 v17, v13;
	v10 =	vadd.f32 v10, v18  }
0x6f: {  	v9 =	vsel vm2, v14, v9;
	vm5 =	vgt.f32 v15, v11;
	vm3 =	vmand vm3, vm4  }
0x70: {  	v12 =	vsel vm2, v16, v12;
	vm2 =	vmor vm5, vm3;
	v14 =	vperm.xlane v10, v5  }
0x71: {  	v16 =	vperm.xlane v9, v4;
	v11 =	vsel vm2, v15, v11;
	v13 =	vsel vm2, v17, v13  }
0x72: {  	v15 =	vperm.xlane v11, v4;
	v17 =	vperm.xlane v13, v4;
	v10 =	vadd.f32 v10, v14  }
0x73: {  	vm3 =	veq.f32 v16, v9;
	vm2 =	vgt.f32 v16, v9;
	v14 =	vperm.xlane v12, v4  }
0x74: {  	vm4 =	veq.f32 v15, v11;
	vm5 =	vlt.s32 v17, v13;
	v10 =	vadd.f32 $9.999999930e-09, v10  }
0x75: {  	s12 =	sshra.s32 s13, $0x2;
	vm7 =	vgt.f32 v15, v11;
	vm6 =	vlt.s32 v14, v12;
	vm4 =	vmand vm4, vm5  }
0x76: {  	vm3 =	vmand vm3, vm6;
	vm4 =	vmor vm7, vm4;
	v18 =	vld [tilespmem:s12+$0x0];
	(erf) = vrcp.f32 v10  }
0x77: {  	vm2 =	vmor vm2, vm3;
	v11 =	vsel vm4, v15, v11;
	v13 =	vsel vm4, v17, v13  }
0x78: {  	v9 =	vsel vm2, v16, v9;
	v15 =	vperm.xlane v11, v5;
	v16 =	vperm.xlane v13, v5  }
0x79: {  	v12 =	vsel vm2, v14, v12;
	v14 =	vperm.xlane v9, v5  }
0x7a: {  	v17 =	vperm.xlane v12, v5;
	vm2 =	veq.f32 v15, v11;
	vm3 =	vlt.s32 v16, v13  }
0x7b: {  	vm4 =	vgt.f32 v15, v11;
	vm2 =	vmand vm2, vm3;
	v10 =	vperm.xlane v18, v0  }
.Ltmp0:
0x7c: {  	vm3 =	veq.f32 v14, v9;
	vm5 =	vlt.s32 v17, v12;
	vm2 =	vmor vm4, vm2;
	(pc) =	sbr.rel @p0 .LBB2_2-.Ltmp0, $4  }
0x7d: {  	vm4 =	vgt.f32 v14, v9;
	vm3 =	vmand vm3, vm5;
	v9 =	vsel vm2, v16, v13  }
0x7e: {  	vm4 =	vmor vm4, vm3;
	vm2 =	vgt.f32 v10, v18;
	vm5 =	veq.s32 v9, v1  }
0x7f: {  	vm3 =	veq.f32 v10, v18;
	v9 =	vsel vm4, v17, v12;
	vm4 =	vmor vm1, vm5;
	v11 =	vpop (erf)  }
0x80: {  	s13 =	sadd.s32 $0x40, s13;
	vm1 =	veq.s32 v9, v1;
	v9 =	vmul.f32 v11, v8;
	v8 =	vnsel vm4, $0x0, v6;
	v6 =	vmovc v7;
	v7 =	vmovc v18  }
0x81: {  	vm3 =	vmand vm3, vm0  }
0x82: {  	vm2 =	vmor vm2, vm3  }
0x83: {  	v10 =	vsel vm2, v10, v7;
	v11 =	vsel vm2, v2, v1  }
0x84: {  	v12 =	vperm.xlane v10, v3;
	v13 =	vperm.xlane v11, v3;
	_ =	sdelay $0x1  }
0x85: {  	vm2 =	veq.f32 v12, v10;
	vm3 =	vlt.s32 v13, v11  }
0x86: {  	vm4 =	vgt.f32 v12, v10;
	vm2 =	vmand vm2, vm3  }
0x87: {  	vm2 =	vmor vm4, vm2  }
0x88: {  	v10 =	vsel vm2, v12, v10;
	v11 =	vsel vm2, v13, v11  }
0x89: {  	v12 =	vperm.xlane v10, v4;
	v13 =	vperm.xlane v11, v4;
	_ =	sdelay $0x1  }
0x8a: {  	vm2 =	veq.f32 v12, v10;
	vm3 =	vlt.s32 v13, v11  }
0x8b: {  	vm14 =	vgt.f32 v12, v10;
	vm2 =	vmand vm2, vm3  }
0x8c: {  	vm2 =	vmor vm14, vm2  }
0x8d: {  	v10 =	vsel vm2, v12, v10;
	v11 =	vsel vm2, v13, v11  }
0x8e: {  	v12 =	vperm.xlane v10, v5;
	v13 =	vperm.xlane v11, v5;
	_ =	sdelay $0x1  }
0x8f: {  	v14 =	vsel vm1, $0xFF800000, v6;
	vm2 =	veq.f32 v12, v10;
	vm3 =	vlt.s32 v13, v11  }
0x90: {  	v15 =	vperm.xlane v14, v0;
	vm15 =	vgt.f32 v12, v10;
	vm2 =	vmand vm2, vm3  }
0x91: {  	vm2 =	vmor vm15, vm2  }
0x92: {  	vm3 =	veq.f32 v15, v14;
	v40 =	vsel vm2, v13, v11  }
0x93: {  	vm8 =	vgt.f32 v15, v14;
	vm3 =	vmand vm0, vm3;
	vm2 =	veq.s32 v40, v1  }
0x94: {  	vm3 =	vmor vm8, vm3;
	v10 =	vsel vm2, $0xFF800000, v7  }
0x95: {  	v41 =	vsel vm3, v15, v14;
	v42 =	vperm.xlane v10, v0  }
0x96: {  	v43 =	vsel vm3, v2, v1;
	v14 =	vperm.xlane v41, v3  }
0x97: {  	v44 =	vperm.xlane v43, v3;
	vm3 =	veq.f32 v42, v10  }
0x98: {  	vm9 =	veq.f32 v14, v41;
	vm5 =	vgt.f32 v42, v10;
	vm3 =	vmand vm0, vm3  }
0x99: {  	vm6 =	vlt.s32 v44, v43;
	vm7 =	vgt.f32 v14, v41;
	vm3 =	vmor vm5, vm3  }
0x9a: {  	vm4 =	vmand vm9, vm6;
	v10 =	vsel vm3, v42, v10;
	v45 =	vsel vm3, v2, v1  }
0x9b: {  	vm3 =	vmor vm7, vm4;
	v16 =	vperm.xlane v10, v3;
	v17 =	vperm.xlane v45, v3  }
0x9c: {  	v11 =	vsel vm3, v14, v41  }
0x9d: {  	v13 =	vsel vm3, v44, v43;
	vm3 =	veq.f32 v16, v10;
	vm10 =	vlt.s32 v17, v45  }
0x9e: {  	v14 =	vperm.xlane v11, v4;
	vm11 =	vgt.f32 v16, v10;
	vm3 =	vmand vm3, vm10  }
0x9f: {  	v15 =	vperm.xlane v13, v4;
	vm3 =	vmor vm11, vm3  }
0xa0: {  	vm12 =	veq.f32 v14, v11;
	v10 =	vsel vm3, v16, v10;
	v12 =	vsel vm3, v17, v45  }
0xa1: {  	vm3 =	vlt.s32 v15, v13;
	v16 =	vperm.xlane v10, v4;
	v17 =	vperm.xlane v12, v4  }
0xa2: {  	vm13 =	vgt.f32 v14, v11;
	vm3 =	vmand vm12, vm3  }
0xa3: {  	vm3 =	vmor vm13, vm3;
	vm14 =	veq.f32 v16, v10;
	vm15 =	vlt.s32 v17, v12  }
0xa4: {  	v11 =	vsel vm3, v14, v11;
	vm9 =	vgt.f32 v16, v10;
	vm4 =	vmand vm14, vm15  }
0xa5: {  	v13 =	vsel vm3, v15, v13;
	v14 =	vperm.xlane v11, v5;
	vm3 =	vmor vm9, vm4  }
0xa6: {  	v15 =	vperm.xlane v13, v5;
	v10 =	vsel vm3, v16, v10;
	v12 =	vsel vm3, v17, v12  }
0xa7: {  	v16 =	vperm.xlane v10, v5;
	v17 =	vperm.xlane v12, v5  }
0xa8: {  	vm3 =	veq.f32 v14, v11;
	vm10 =	vlt.s32 v15, v13;
	vm11 =	vgt.f32 v14, v11  }
0xa9: {  	vm3 =	vmand vm3, vm10;
	vm12 =	veq.f32 v16, v10;
	vm13 =	vlt.s32 v17, v12  }
0xaa: {  	vm3 =	vmor vm11, vm3;
	vm14 =	vgt.f32 v16, v10;
	vm4 =	vmand vm12, vm13  }
0xab: {  	v46 =	vsel vm3, v15, v13;
	vm3 =	vmor vm14, vm4  }
0xac: {  	vm15 =	veq.s32 v46, v1;
	v47 =	vsel vm3, v17, v12  }
0xad: {  	vm1 =	vmor vm1, vm15;
	vm3 =	veq.s32 v47, v1  }
0xae: {  	v48 =	vperm.xlane v8, v0;
	v6 =	vnsel vm1, $0x0, v6;
	vm1 =	vmor vm2, vm3  }
0xaf: {  	v49 =	vperm.xlane v6, v0;
	v7 =	vnsel vm1, $0x0, v7  }
0xb0: {  	v10 =	vadd.f32 v8, v48;
	v50 =	vperm.xlane v7, v0  }
0xb1: {  	v11 =	vadd.f32 v6, v49  }
0xb2: {  	v51 =	vperm.xlane v10, v3;
	v12 =	vadd.f32 v7, v50  }
0xb3: {  	v52 =	vperm.xlane v11, v3  }
0xb4: {  	v10 =	vadd.f32 v10, v51;
	v53 =	vperm.xlane v12, v3  }
0xb5: {  	v11 =	vadd.f32 v11, v52  }
0xb6: {  	v54 =	vperm.xlane v10, v4;
	v12 =	vadd.f32 v12, v53  }
0xb7: {  	v55 =	vperm.xlane v11, v4  }
0xb8: {  	v10 =	vadd.f32 v10, v54;
	v56 =	vperm.xlane v12, v4  }
0xb9: {  	v11 =	vadd.f32 v11, v55  }
0xba: {  	v57 =	vperm.xlane v10, v5;
	v12 =	vadd.f32 v12, v56  }
0xbb: {  	v58 =	vperm.xlane v11, v5  }
0xbc: {  	v10 =	vadd.f32 v10, v57;
	v59 =	vperm.xlane v12, v5  }
0xbd: {  	v11 =	vadd.f32 v11, v58  }
0xbe: {  	v10 =	vadd.f32 $9.999999930e-09, v10;
	v12 =	vadd.f32 v12, v59  }
0xbf: {  	v11 =	vadd.f32 $9.999999930e-09, v11  }
0xc0: {  	(erf) = vrcp.f32 v10;
	v60 =	vadd.f32 $9.999999930e-09, v12  }
0xc1: {  	(erf) = vrcp.f32 v11  }
0xc2: {  	(erf) = vrcp.f32 v60;
	_ =	sdelay $0x6  }
0xc3: {  	v61 =	vpop (erf)  }
0xc4: {  	v62 =	vmul.f32 v61, v8;
	v11 =	vpop (erf)  }
0xc5: {  	[tilespmem:s9+$0x800] =	vst v9;
	v6 =	vmul.f32 v11, v6;
	v63 =	vpop (erf)  }
0xc6: {  	s8 =	sadd.s32 $0x1, s8;
	[tilespmem:s10+$0x800] =	vst v62;
	v7 =	vmul.f32 v63, v7  }
0xc7: {  	p0 =	sne.s32 s8, s5;
	[tilespmem:s11+$0x800] =	vst v6  }
.Ltmp1:
0xc8: {  	[tilespmem:s12+$0x800] =	vst v7;
	(pc) =	sbr.rel @p0 .LBB2_1-.Ltmp1, $4  }
0xc9: {  	[hbm4b:s4+s2] =	stream.linear.scatter [tilespmem:s7], [sflag:$0x1], $0x800, $0x38;
	[tilespmem:$0x1000] =	vst v63  }
0xca: {  	_ =	swait.ge [sflag:s6], $0x800  }
0xcb: {  	[sflag:s6] =	ssyncset.done $0x0  }
0xcc: {  	[sflag:s6] =	ssyncadd.s32 $0xFFFFF800  }
0xcd: {  	_ =	sfence.sel $0x180000  }
0xce: {  	[bflag:$0x0] =	sbarrier.arrive $0xFFFF  }
0xcf: {  	p0 =	sne.s32 s1, $0x0;
	_ =	strace $0x90000047  }
0xd0: {  	s0 =	sadd.s32 @!p0 $0x100000, s0;
	[bflag:$0x2] =	sbarrier.arrive $0xFFFF  }
0xd1: {  	[sflag:s0] =	ssyncadd.tile.s32 @!p0 $0x1;
	_ =	shalt  }
.Lfunc_end2:
_tile_overlayer_lowered:
.L_overlay_start_2:
0xd2: {  	(tag) =	ssettag $0x2  }
0xd3: {  	s0 =	rddreg [dreg:$0x0];
	s2 =	stileid.u32  }
0xd4: {  	s1 =	rddreg [dreg:$0x1];
	p0 =	sne.s32 s2, $0x0  }
0xd5: {  	s3 =	rddreg [dreg:$0x2];
	[bflag:$0x3] =	sbarrier.arrive $0xFFFF;
	s2 =	simm.s32 @!p0 $0x1C01  }
0xd6: {  	[timem:s3], [sflag:s2] =	dma.local @!p0 [hbm:s0], s1  }
0xd7: {  	s0 =	simm.s32 @!p0 $0x1  }
0xd8: {  	_ =	swait.ge @!p0 [sflag:s0], s1  }
0xd9: {  	s1 =	ssub.s32 @!p0 $0x0, s1;
	[sflag:s0] =	ssyncset.done @!p0 $0x0  }
0xda: {  	[sflag:s0] =	ssyncadd.s32 @!p0 s1  }
0xdb: {  	[bflag:$0x3] =	sbarrier.arrive $0xFFFF  }
0xdc: {  	_ =	shalt  }

</sc_bundles>
